<compile_context>
chip_gen: v7x
topology: tpu7x:2x2x1
jax: 0.10.2.dev20260603
libtpu: 0.0.44.dev20260713+nightly
codegen_flags: <defaults>
</compile_context>

<pallas_src>
import functools

import jax
import jax.numpy as jnp
from jax import lax
from jax.experimental import pallas as pl
from jax.experimental.pallas import tpu as pltpu
from jax.experimental.pallas import tpu_sc as plsc

N_NODES = 10000
N_HYPEREDGES = 10000
N_INCIDENCE = 320000
D_IN = 128
D_HIDDEN = 256

NC = 2
NS = 16
NW = NC * NS
CH = 128
CPW = 80
CPH = CPW // 2
E_PAD = NW * CPW * CH
H_PAD = 10240
ZR = H_PAD // NS


def _sc_body(x_hbm, ni_hbm, he_hbm, z_hbm, out_hbm, ni_v, he_v, rows_v0, rows_v1,
             sem0, sem1, acc_sh):
    c = lax.axis_index("c")
    s = lax.axis_index("s")
    wid = s * NC + c

    pltpu.sync_copy(z_hbm, acc_sh.at[pl.ds(s * ZR, ZR)])

    bufs = (rows_v0, rows_v1)
    sems = (sem0, sem1)
    for h in range(2):
        pltpu.sync_copy(ni_hbm.at[pl.ds(wid * CPW + h * CPH, CPH)], ni_v)
        pltpu.sync_copy(he_hbm.at[pl.ds(wid * CPW + h * CPH, CPH)], he_v)
        for b in range(2):
            pltpu.async_copy(x_hbm.at[ni_v.at[b]], bufs[b], sems[b])
        if h == 0:
            plsc.subcore_barrier()

        @pl.loop(0, CPH, step=2)
        def _(j):
            for b in range(2):
                jj = j + b
                pltpu.make_async_copy(
                    x_hbm.at[ni_v.at[jj]], bufs[b], sems[b]).wait()
                pltpu.sync_copy(bufs[b], acc_sh.at[he_v.at[jj]], add=True)

                @pl.when(jj + 2 < CPH)
                def _():
                    pltpu.async_copy(x_hbm.at[ni_v.at[jj + 2]], bufs[b], sems[b])

    plsc.subcore_barrier()
    pltpu.sync_copy(acc_sh.at[pl.ds(s * ZR, ZR)],
                    out_hbm.at[c, pl.ds(s * ZR, ZR)])


_sc_seg_sum = functools.partial(
    pl.kernel,
    out_type=jax.ShapeDtypeStruct((NC, H_PAD, D_IN), jnp.float32),
    mesh=plsc.VectorSubcoreMesh(core_axis_name="c", subcore_axis_name="s"),
    scratch_types=[
        pltpu.VMEM((CPH, CH), jnp.int32),
        pltpu.VMEM((CPH, CH), jnp.int32),
        pltpu.VMEM((CH, D_IN), jnp.float32),
        pltpu.VMEM((CH, D_IN), jnp.float32),
        pltpu.SemaphoreType.DMA,
        pltpu.SemaphoreType.DMA,
        pltpu.VMEM_SHARED((H_PAD, D_IN), jnp.float32),
    ],
)(_sc_body)


_M_BLK = 1000


def _tc_node_body(x_ref, wn_ref, bn_ref, on_ref):
    on_ref[...] = jnp.maximum(
        jnp.dot(x_ref[...], wn_ref[...], preferred_element_type=jnp.float32)
        + bn_ref[...], 0.0)


def _tc_node_mlp(x, wn_t, bn):
    return pl.pallas_call(
        _tc_node_body,
        grid=(N_NODES // _M_BLK,),
        in_specs=[
            pl.BlockSpec((_M_BLK, D_IN), lambda i: (i, 0)),
            pl.BlockSpec((D_IN, D_HIDDEN), lambda i: (0, 0)),
            pl.BlockSpec((1, D_HIDDEN), lambda i: (0, 0)),
        ],
        out_specs=pl.BlockSpec((_M_BLK, D_HIDDEN), lambda i: (i, 0)),
        out_shape=jax.ShapeDtypeStruct((N_NODES, D_HIDDEN), jnp.float32),
    )(x, wn_t, bn)


def _tc_edge_body(p_ref, we_ref, be_ref, oe_ref):
    xh = p_ref[0] + p_ref[1]
    oe_ref[...] = jnp.maximum(
        jnp.dot(xh, we_ref[...], preferred_element_type=jnp.float32)
        + be_ref[...], 0.0)


def _tc_edge_mlp(partials, we_t, be):
    return pl.pallas_call(
        _tc_edge_body,
        grid=(N_HYPEREDGES // _M_BLK,),
        in_specs=[
            pl.BlockSpec((NC, _M_BLK, D_IN), lambda i: (0, i, 0)),
            pl.BlockSpec((D_IN, D_HIDDEN), lambda i: (0, 0)),
            pl.BlockSpec((1, D_HIDDEN), lambda i: (0, 0)),
        ],
        out_specs=pl.BlockSpec((_M_BLK, D_HIDDEN), lambda i: (i, 0)),
        out_shape=jax.ShapeDtypeStruct((N_HYPEREDGES, D_HIDDEN), jnp.float32),
    )(partials, we_t, be)


def kernel(x, hyperedge_index, node_index, y, batch_0, W_node, b_node, W_edge, b_edge):
    pad = E_PAD - N_INCIDENCE
    ni = jnp.concatenate(
        [node_index.astype(jnp.int32),
         jnp.arange(pad, dtype=jnp.int32) % N_NODES]
    ).reshape(NW * CPW, CH)
    he = jnp.concatenate(
        [hyperedge_index.astype(jnp.int32),
         N_HYPEREDGES + (jnp.arange(pad, dtype=jnp.int32)
                         % (H_PAD - N_HYPEREDGES))]
    ).reshape(NW * CPW, CH)
    zrows = jnp.zeros((ZR, D_IN), jnp.float32)
    partials = _sc_seg_sum(x, ni, he, zrows)
    out_n = _tc_node_mlp(x, W_node.T, b_node.reshape(1, D_HIDDEN))
    out_e = _tc_edge_mlp(partials, W_edge.T, b_edge.reshape(1, D_HIDDEN))
    return (y, batch_0, out_n, out_e)

# --- scband reference (transcript-rebuilt; emitter-appended) ---
"""Pipeline reference for scband-hypergraph-model-66477503807916 (READ-ONLY COPY).

The authoritative reference and input builder live on the scoring server;
editing this copy changes nothing except your own understanding.
"""

import jax, jax.numpy as jnp
import numpy as np

N_NODES = 10000
N_HYPEREDGES = 10000
N_INCIDENCE = 320000
D_IN = 128
D_HIDDEN = 256
N_GRAPHS = 64


def setup_inputs(seed: int = 0) -> dict:
    key = jax.random.key(seed)
    k_x, k_he, k_ni, k_y, k_b0, k_wn, k_bn, k_we, k_be = jax.random.split(key, 9)
    x = jax.random.normal(k_x, (N_NODES, D_IN), dtype=jnp.float32)
    hyperedge_index = jax.random.randint(k_he, (N_INCIDENCE,), 0, N_HYPEREDGES, dtype=jnp.int64 if jax.config.jax_enable_x64 else jnp.int32)
    node_index = jax.random.randint(k_ni, (N_INCIDENCE,), 0, N_NODES, dtype=jnp.int64 if jax.config.jax_enable_x64 else jnp.int32)
    y = jax.random.randint(k_y, (N_GRAPHS,), 0, 2, dtype=jnp.int64 if jax.config.jax_enable_x64 else jnp.int32)
    batch_0 = jnp.sort(jax.random.randint(k_b0, (N_NODES,), 0, N_GRAPHS, dtype=jnp.int64 if jax.config.jax_enable_x64 else jnp.int32))
    # Linear layer params (PyTorch nn.Linear: weight [out, in], bias [out]); use kaiming-uniform-like init
    bound = 1.0 / np.sqrt(D_IN)
    W_node = jax.random.uniform(k_wn, (D_HIDDEN, D_IN), minval=-bound, maxval=bound, dtype=jnp.float32)
    b_node = jax.random.uniform(k_bn, (D_HIDDEN,), minval=-bound, maxval=bound, dtype=jnp.float32)
    W_edge = jax.random.uniform(k_we, (D_HIDDEN, D_IN), minval=-bound, maxval=bound, dtype=jnp.float32)
    b_edge = jax.random.uniform(k_be, (D_HIDDEN,), minval=-bound, maxval=bound, dtype=jnp.float32)
    return {"x": x, "hyperedge_index": hyperedge_index, "node_index": node_index, "y": y, "batch_0": batch_0,
            "W_node": W_node, "b_node": b_node, "W_edge": W_edge, "b_edge": b_edge}


def reference(x, hyperedge_index, node_index, y, batch_0, W_node, b_node, W_edge, b_edge):
    # torch.sparse.mm(incidence_hyperedges, x): incidence is [n_hyperedges, n_nodes] binary,
    # equivalent to gather rows of x at node_index then scatter-add into hyperedge rows.
    gathered = jnp.take(x, node_index, axis=0)                      # [E, D_IN] gather
    x_hyperedges = jax.ops.segment_sum(gathered, hyperedge_index,   # [n_hyperedges, D_IN]
                                       num_segments=N_HYPEREDGES)
    x_hypernodes = jax.nn.relu(x @ W_node.T + b_node)               # Linear + ReLU on nodes
    x_hyperedges = jax.nn.relu(x_hyperedges @ W_edge.T + b_edge)    # Linear + ReLU on hyperedges
    # dict return in torch; return as tuple (labels, batch_0, x_0, hyperedge)
    return (y, batch_0, x_hypernodes, x_hyperedges)

if __name__ == "__main__":
    import jax
    _d = setup_inputs()
    print(jax.jit(kernel)(*tuple(_d.values())))

</pallas_src>

<mosaic_0001>
#map = affine_map<(d0, d1) -> (0, 0)>
#map1 = affine_map<(d0, d1) -> (0, 0, 0)>
module attributes {stable_mosaic.version = 14 : i64} {
  func.func @_sc_body(%arg0: i32, %arg1: i32, %arg2: memref<10000x128xf32, #tpu.memory_space<hbm>>, %arg3: memref<2560x128xi32, #tpu.memory_space<hbm>>, %arg4: memref<2560x128xi32, #tpu.memory_space<hbm>>, %arg5: memref<640x128xf32, #tpu.memory_space<hbm>>, %arg6: memref<2x10240x128xf32, #tpu.memory_space<hbm>>, %arg7: memref<40x128xi32, #tpu.memory_space<vmem>>, %arg8: memref<40x128xi32, #tpu.memory_space<vmem>>, %arg9: memref<128x128xf32, #tpu.memory_space<vmem>>, %arg10: memref<128x128xf32, #tpu.memory_space<vmem>>, %arg11: memref<!tpu.dma_semaphore, #tpu.memory_space<semaphore_mem>>, %arg12: memref<!tpu.dma_semaphore, #tpu.memory_space<semaphore_mem>>, %arg13: memref<10240x128xf32, #tpu.memory_space<vmem_shared>>) attributes {dimension_semantics = [#tpu.dimension_semantics<core_parallel>, #tpu.dimension_semantics<subcore_parallel>], iteration_bounds = array<i64: 2, 16>, scalar_prefetch = 0 : i64, scratch_operands = 7 : i64, tpu.core_type = #tpu.core_type<sc_vector_subcore>, window_params = [{transform_indices = #map}, {transform_indices = #map}, {transform_indices = #map}, {transform_indices = #map}, {transform_indices = #map1}]} {
    %mul3A = arith.constant 2 : i32
    %mul3A_0 = arith.muli %arg1, %mul3A : i32
    %add3A = arith.addi %mul3A_0, %arg0 : i32
    %mul3A_1 = arith.constant 640 : i32
    %mul3A_2 = arith.muli %arg1, %mul3A_1 : i32
    "tpu.region"() ({
      %run_scoped3A = tpu.sem_alloc : memref<!tpu.dma_semaphore, #tpu.memory_space<semaphore_mem>>
      %dma_start3A_60 = arith.constant 0 : i32
      %dma_start3A_61 = tpu.memref_slice %arg13[%mul3A_2, %dma_start3A_60] : memref<10240x128xf32, #tpu.memory_space<vmem_shared>> -> memref<640x128xf32, #tpu.memory_space<vmem_shared>>
      tpu.enqueue_dma source(%arg5 : memref<640x128xf32, #tpu.memory_space<hbm>>) target(%dma_start3A_61 : memref<640x128xf32, #tpu.memory_space<vmem_shared>>) target_semaphore(%run_scoped3A : memref<!tpu.dma_semaphore, #tpu.memory_space<semaphore_mem>>)
      %dma_wait3A = arith.constant 0 : i32
      %dma_wait3A_62 = tpu.memref_slice %arg13[%mul3A_2, %dma_wait3A] : memref<10240x128xf32, #tpu.memory_space<vmem_shared>> -> memref<640x128xf32, #tpu.memory_space<vmem_shared>>
      tpu.wait_dma2 semaphore(%run_scoped3A : memref<!tpu.dma_semaphore, #tpu.memory_space<semaphore_mem>>) src(%arg5 : memref<640x128xf32, #tpu.memory_space<hbm>>) dst(%dma_wait3A_62 : memref<640x128xf32, #tpu.memory_space<vmem_shared>>)
      tpu.yield
    }) : () -> ()
    %mul3A_3 = arith.constant 80 : i32
    %mul3A_4 = arith.muli %add3A, %mul3A_3 : i32
    %add3A_5 = arith.constant 0 : i32
    %add3A_6 = arith.addi %mul3A_4, %add3A_5 : i32
    "tpu.region"() ({
      %run_scoped3A = tpu.sem_alloc : memref<!tpu.dma_semaphore, #tpu.memory_space<semaphore_mem>>
      %dma_start3A_60 = arith.constant 0 : i32
      %dma_start3A_61 = tpu.memref_slice %arg3[%add3A_6, %dma_start3A_60] : memref<2560x128xi32, #tpu.memory_space<hbm>> -> memref<40x128xi32, #tpu.memory_space<hbm>>
      %dma_start3A_62 = arith.constant 0 : i32
      %dma_start3A_63 = tpu.memref_slice %arg3[%add3A_6, %dma_start3A_62] : memref<2560x128xi32, #tpu.memory_space<hbm>> -> memref<40x128xi32, #tpu.memory_space<hbm>>
      tpu.enqueue_dma source(%dma_start3A_63 : memref<40x128xi32, #tpu.memory_space<hbm>>) target(%arg7 : memref<40x128xi32, #tpu.memory_space<vmem>>) target_semaphore(%run_scoped3A : memref<!tpu.dma_semaphore, #tpu.memory_space<semaphore_mem>>)
      %dma_wait3A = arith.constant 0 : i32
      %dma_wait3A_64 = tpu.memref_slice %arg3[%add3A_6, %dma_wait3A] : memref<2560x128xi32, #tpu.memory_space<hbm>> -> memref<40x128xi32, #tpu.memory_space<hbm>>
      %dma_wait3A_65 = arith.constant 0 : i32
      %dma_wait3A_66 = tpu.memref_slice %arg3[%add3A_6, %dma_wait3A_65] : memref<2560x128xi32, #tpu.memory_space<hbm>> -> memref<40x128xi32, #tpu.memory_space<hbm>>
      tpu.wait_dma2 semaphore(%run_scoped3A : memref<!tpu.dma_semaphore, #tpu.memory_space<semaphore_mem>>) src(%dma_wait3A_66 : memref<40x128xi32, #tpu.memory_space<hbm>>) dst(%arg7 : memref<40x128xi32, #tpu.memory_space<vmem>>)
      tpu.yield
    }) : () -> ()
    %mul3A_7 = arith.constant 80 : i32
    %mul3A_8 = arith.muli %add3A, %mul3A_7 : i32
    %add3A_9 = arith.constant 0 : i32
    %add3A_10 = arith.addi %mul3A_8, %add3A_9 : i32
    "tpu.region"() ({
      %run_scoped3A = tpu.sem_alloc : memref<!tpu.dma_semaphore, #tpu.memory_space<semaphore_mem>>
      %dma_start3A_60 = arith.constant 0 : i32
      %dma_start3A_61 = tpu.memref_slice %arg4[%add3A_10, %dma_start3A_60] : memref<2560x128xi32, #tpu.memory_space<hbm>> -> memref<40x128xi32, #tpu.memory_space<hbm>>
      %dma_start3A_62 = arith.constant 0 : i32
      %dma_start3A_63 = tpu.memref_slice %arg4[%add3A_10, %dma_start3A_62] : memref<2560x128xi32, #tpu.memory_space<hbm>> -> memref<40x128xi32, #tpu.memory_space<hbm>>
      tpu.enqueue_dma source(%dma_start3A_63 : memref<40x128xi32, #tpu.memory_space<hbm>>) target(%arg8 : memref<40x128xi32, #tpu.memory_space<vmem>>) target_semaphore(%run_scoped3A : memref<!tpu.dma_semaphore, #tpu.memory_space<semaphore_mem>>)
      %dma_wait3A = arith.constant 0 : i32
      %dma_wait3A_64 = tpu.memref_slice %arg4[%add3A_10, %dma_wait3A] : memref<2560x128xi32, #tpu.memory_space<hbm>> -> memref<40x128xi32, #tpu.memory_space<hbm>>
      %dma_wait3A_65 = arith.constant 0 : i32
      %dma_wait3A_66 = tpu.memref_slice %arg4[%add3A_10, %dma_wait3A_65] : memref<2560x128xi32, #tpu.memory_space<hbm>> -> memref<40x128xi32, #tpu.memory_space<hbm>>
      tpu.wait_dma2 semaphore(%run_scoped3A : memref<!tpu.dma_semaphore, #tpu.memory_space<semaphore_mem>>) src(%dma_wait3A_66 : memref<40x128xi32, #tpu.memory_space<hbm>>) dst(%arg8 : memref<40x128xi32, #tpu.memory_space<vmem>>)
      tpu.yield
    }) : () -> ()
    %dma_start3A = arith.constant 0 : i32
    %dma_start3A_11 = arith.constant 0 : i32
    %dma_start3A_12 = tpu.memref_slice %arg7[%dma_start3A, %dma_start3A_11] : memref<40x128xi32, #tpu.memory_space<vmem>> -> memref<1x128xi32, #tpu.memory_space<vmem>>
    %dma_start3A_13 = tpu.memref_squeeze %dma_start3A_12 : memref<1x128xi32, #tpu.memory_space<vmem>> -> memref<128xi32, #tpu.memory_space<vmem>>
    %dma_start3A_14 = arith.constant 0 : i32
    %dma_start3A_15 = arith.constant 0 : i32
    %dma_start3A_16 = tpu.memref_slice %arg2[%dma_start3A_14, %dma_start3A_15] : memref<10000x128xf32, #tpu.memory_space<hbm>> -> memref<10000x128xf32, #tpu.memory_space<hbm>>
    tpu.enqueue_indirect_dma source(%dma_start3A_16 : memref<10000x128xf32, #tpu.memory_space<hbm>>) target(%arg9 : memref<128x128xf32, #tpu.memory_space<vmem>>) offsets(%dma_start3A_13 : memref<128xi32, #tpu.memory_space<vmem>>) semaphore(%arg11 : memref<!tpu.dma_semaphore, #tpu.memory_space<semaphore_mem>>)
    %dma_start3A_17 = arith.constant 1 : i32
    %dma_start3A_18 = arith.constant 0 : i32
    %dma_start3A_19 = tpu.memref_slice %arg7[%dma_start3A_17, %dma_start3A_18] : memref<40x128xi32, #tpu.memory_space<vmem>> -> memref<1x128xi32, #tpu.memory_space<vmem>>
    %dma_start3A_20 = tpu.memref_squeeze %dma_start3A_19 : memref<1x128xi32, #tpu.memory_space<vmem>> -> memref<128xi32, #tpu.memory_space<vmem>>
    %dma_start3A_21 = arith.constant 0 : i32
    %dma_start3A_22 = arith.constant 0 : i32
    %dma_start3A_23 = tpu.memref_slice %arg2[%dma_start3A_21, %dma_start3A_22] : memref<10000x128xf32, #tpu.memory_space<hbm>> -> memref<10000x128xf32, #tpu.memory_space<hbm>>
    tpu.enqueue_indirect_dma source(%dma_start3A_23 : memref<10000x128xf32, #tpu.memory_space<hbm>>) target(%arg10 : memref<128x128xf32, #tpu.memory_space<vmem>>) offsets(%dma_start3A_20 : memref<128xi32, #tpu.memory_space<vmem>>) semaphore(%arg12 : memref<!tpu.dma_semaphore, #tpu.memory_space<semaphore_mem>>)
    %barrier3A = arith.constant 0 : index
    tpu.barrier barrier_id(%barrier3A)
    %scan3A = arith.constant 0 : i32
    %scan3A_24 = arith.constant 20 : i32
    %scan3A_25 = arith.addi %scan3A, %scan3A_24 : i32
    %scan3A_26 = arith.constant 1 : i32
    scf.for %scan3A_60 = %scan3A to %scan3A_25 step %scan3A_26  : i32 {
      %mul3A_61 = arith.constant 2 : i32
      %mul3A_62 = arith.muli %scan3A_60, %mul3A_61 : i32
      %add3A_63 = arith.constant 0 : i32
      %add3A_64 = arith.addi %add3A_63, %mul3A_62 : i32
      %add3A_65 = arith.constant 0 : i32
      %add3A_66 = arith.addi %add3A_64, %add3A_65 : i32
      %dma_wait3A = arith.constant 0 : i32
      %dma_wait3A_67 = tpu.memref_slice %arg7[%add3A_66, %dma_wait3A] : memref<40x128xi32, #tpu.memory_space<vmem>> -> memref<1x128xi32, #tpu.memory_space<vmem>>
      %dma_wait3A_68 = tpu.memref_squeeze %dma_wait3A_67 : memref<1x128xi32, #tpu.memory_space<vmem>> -> memref<128xi32, #tpu.memory_space<vmem>>
      %dma_wait3A_69 = arith.constant 0 : i32
      %dma_wait3A_70 = arith.constant 0 : i32
      %dma_wait3A_71 = tpu.memref_slice %arg2[%dma_wait3A_69, %dma_wait3A_70] : memref<10000x128xf32, #tpu.memory_space<hbm>> -> memref<10000x128xf32, #tpu.memory_space<hbm>>
      tpu.wait_indirect_dma semaphore(%arg11 : memref<!tpu.dma_semaphore, #tpu.memory_space<semaphore_mem>>) src(%dma_wait3A_71 : memref<10000x128xf32, #tpu.memory_space<hbm>>) dst(%arg9 : memref<128x128xf32, #tpu.memory_space<vmem>>)
      "tpu.region"() ({
        %run_scoped3A = tpu.sem_alloc : memref<!tpu.dma_semaphore, #tpu.memory_space<semaphore_mem>>
        %dma_start3A_91 = arith.constant 0 : i32
        %dma_start3A_92 = tpu.memref_slice %arg8[%add3A_66, %dma_start3A_91] : memref<40x128xi32, #tpu.memory_space<vmem>> -> memref<1x128xi32, #tpu.memory_space<vmem>>
        %dma_start3A_93 = tpu.memref_squeeze %dma_start3A_92 : memref<1x128xi32, #tpu.memory_space<vmem>> -> memref<128xi32, #tpu.memory_space<vmem>>
        %dma_start3A_94 = arith.constant 0 : i32
        %dma_start3A_95 = arith.constant 0 : i32
        %dma_start3A_96 = tpu.memref_slice %arg13[%dma_start3A_94, %dma_start3A_95] : memref<10240x128xf32, #tpu.memory_space<vmem_shared>> -> memref<10240x128xf32, #tpu.memory_space<vmem_shared>>
        tpu.enqueue_indirect_dma source(%arg9 : memref<128x128xf32, #tpu.memory_space<vmem>>) target(%dma_start3A_96 : memref<10240x128xf32, #tpu.memory_space<vmem_shared>>) offsets(%dma_start3A_93 : memref<128xi32, #tpu.memory_space<vmem>>) semaphore(%run_scoped3A : memref<!tpu.dma_semaphore, #tpu.memory_space<semaphore_mem>>) {add = true}
        %dma_wait3A_97 = arith.constant 0 : i32
        %dma_wait3A_98 = tpu.memref_slice %arg8[%add3A_66, %dma_wait3A_97] : memref<40x128xi32, #tpu.memory_space<vmem>> -> memref<1x128xi32, #tpu.memory_space<vmem>>
        %dma_wait3A_99 = tpu.memref_squeeze %dma_wait3A_98 : memref<1x128xi32, #tpu.memory_space<vmem>> -> memref<128xi32, #tpu.memory_space<vmem>>
        %dma_wait3A_100 = arith.constant 0 : i32
        %dma_wait3A_101 = arith.constant 0 : i32
        %dma_wait3A_102 = tpu.memref_slice %arg13[%dma_wait3A_100, %dma_wait3A_101] : memref<10240x128xf32, #tpu.memory_space<vmem_shared>> -> memref<10240x128xf32, #tpu.memory_space<vmem_shared>>
        tpu.wait_indirect_dma semaphore(%run_scoped3A : memref<!tpu.dma_semaphore, #tpu.memory_space<semaphore_mem>>) src(%arg9 : memref<128x128xf32, #tpu.memory_space<vmem>>) dst(%dma_wait3A_102 : memref<10240x128xf32, #tpu.memory_space<vmem_shared>>)
        tpu.yield
      }) : () -> ()
      %add3A_72 = arith.constant 2 : i32
      %add3A_73 = arith.addi %add3A_66, %add3A_72 : i32
      %lt3A = arith.constant 40 : i32
      %lt3A_74 = arith.cmpi slt, %add3A_73, %lt3A : i32
      %convert_element_type3A = arith.extui %lt3A_74 : i1 to i32
      %cond3A = arith.constant 0 : i32
      %cond3A_75 = arith.cmpi ne, %convert_element_type3A, %cond3A : i32
      scf.if %cond3A_75 {
        %add3A_91 = arith.constant 2 : i32
        %add3A_92 = arith.addi %add3A_66, %add3A_91 : i32
        %dma_start3A_93 = arith.constant 0 : i32
        %dma_start3A_94 = tpu.memref_slice %arg7[%add3A_92, %dma_start3A_93] : memref<40x128xi32, #tpu.memory_space<vmem>> -> memref<1x128xi32, #tpu.memory_space<vmem>>
        %dma_start3A_95 = tpu.memref_squeeze %dma_start3A_94 : memref<1x128xi32, #tpu.memory_space<vmem>> -> memref<128xi32, #tpu.memory_space<vmem>>
        %dma_start3A_96 = arith.constant 0 : i32
        %dma_start3A_97 = arith.constant 0 : i32
        %dma_start3A_98 = tpu.memref_slice %arg2[%dma_start3A_96, %dma_start3A_97] : memref<10000x128xf32, #tpu.memory_space<hbm>> -> memref<10000x128xf32, #tpu.memory_space<hbm>>
        tpu.enqueue_indirect_dma source(%dma_start3A_98 : memref<10000x128xf32, #tpu.memory_space<hbm>>) target(%arg9 : memref<128x128xf32, #tpu.memory_space<vmem>>) offsets(%dma_start3A_95 : memref<128xi32, #tpu.memory_space<vmem>>) semaphore(%arg11 : memref<!tpu.dma_semaphore, #tpu.memory_space<semaphore_mem>>)
      } else {
      }
      %add3A_76 = arith.constant 1 : i32
      %add3A_77 = arith.addi %add3A_64, %add3A_76 : i32
      %dma_wait3A_78 = arith.constant 0 : i32
      %dma_wait3A_79 = tpu.memref_slice %arg7[%add3A_77, %dma_wait3A_78] : memref<40x128xi32, #tpu.memory_space<vmem>> -> memref<1x128xi32, #tpu.memory_space<vmem>>
      %dma_wait3A_80 = tpu.memref_squeeze %dma_wait3A_79 : memref<1x128xi32, #tpu.memory_space<vmem>> -> memref<128xi32, #tpu.memory_space<vmem>>
      %dma_wait3A_81 = arith.constant 0 : i32
      %dma_wait3A_82 = arith.constant 0 : i32
      %dma_wait3A_83 = tpu.memref_slice %arg2[%dma_wait3A_81, %dma_wait3A_82] : memref<10000x128xf32, #tpu.memory_space<hbm>> -> memref<10000x128xf32, #tpu.memory_space<hbm>>
      tpu.wait_indirect_dma semaphore(%arg12 : memref<!tpu.dma_semaphore, #tpu.memory_space<semaphore_mem>>) src(%dma_wait3A_83 : memref<10000x128xf32, #tpu.memory_space<hbm>>) dst(%arg10 : memref<128x128xf32, #tpu.memory_space<vmem>>)
      "tpu.region"() ({
        %run_scoped3A = tpu.sem_alloc : memref<!tpu.dma_semaphore, #tpu.memory_space<semaphore_mem>>
        %dma_start3A_91 = arith.constant 0 : i32
        %dma_start3A_92 = tpu.memref_slice %arg8[%add3A_77, %dma_start3A_91] : memref<40x128xi32, #tpu.memory_space<vmem>> -> memref<1x128xi32, #tpu.memory_space<vmem>>
        %dma_start3A_93 = tpu.memref_squeeze %dma_start3A_92 : memref<1x128xi32, #tpu.memory_space<vmem>> -> memref<128xi32, #tpu.memory_space<vmem>>
        %dma_start3A_94 = arith.constant 0 : i32
        %dma_start3A_95 = arith.constant 0 : i32
        %dma_start3A_96 = tpu.memref_slice %arg13[%dma_start3A_94, %dma_start3A_95] : memref<10240x128xf32, #tpu.memory_space<vmem_shared>> -> memref<10240x128xf32, #tpu.memory_space<vmem_shared>>
        tpu.enqueue_indirect_dma source(%arg10 : memref<128x128xf32, #tpu.memory_space<vmem>>) target(%dma_start3A_96 : memref<10240x128xf32, #tpu.memory_space<vmem_shared>>) offsets(%dma_start3A_93 : memref<128xi32, #tpu.memory_space<vmem>>) semaphore(%run_scoped3A : memref<!tpu.dma_semaphore, #tpu.memory_space<semaphore_mem>>) {add = true}
        %dma_wait3A_97 = arith.constant 0 : i32
        %dma_wait3A_98 = tpu.memref_slice %arg8[%add3A_77, %dma_wait3A_97] : memref<40x128xi32, #tpu.memory_space<vmem>> -> memref<1x128xi32, #tpu.memory_space<vmem>>
        %dma_wait3A_99 = tpu.memref_squeeze %dma_wait3A_98 : memref<1x128xi32, #tpu.memory_space<vmem>> -> memref<128xi32, #tpu.memory_space<vmem>>
        %dma_wait3A_100 = arith.constant 0 : i32
        %dma_wait3A_101 = arith.constant 0 : i32
        %dma_wait3A_102 = tpu.memref_slice %arg13[%dma_wait3A_100, %dma_wait3A_101] : memref<10240x128xf32, #tpu.memory_space<vmem_shared>> -> memref<10240x128xf32, #tpu.memory_space<vmem_shared>>
        tpu.wait_indirect_dma semaphore(%run_scoped3A : memref<!tpu.dma_semaphore, #tpu.memory_space<semaphore_mem>>) src(%arg10 : memref<128x128xf32, #tpu.memory_space<vmem>>) dst(%dma_wait3A_102 : memref<10240x128xf32, #tpu.memory_space<vmem_shared>>)
        tpu.yield
      }) : () -> ()
      %add3A_84 = arith.constant 2 : i32
      %add3A_85 = arith.addi %add3A_77, %add3A_84 : i32
      %lt3A_86 = arith.constant 40 : i32
      %lt3A_87 = arith.cmpi slt, %add3A_85, %lt3A_86 : i32
      %convert_element_type3A_88 = arith.extui %lt3A_87 : i1 to i32
      %cond3A_89 = arith.constant 0 : i32
      %cond3A_90 = arith.cmpi ne, %convert_element_type3A_88, %cond3A_89 : i32
      scf.if %cond3A_90 {
        %add3A_91 = arith.constant 2 : i32
        %add3A_92 = arith.addi %add3A_77, %add3A_91 : i32
        %dma_start3A_93 = arith.constant 0 : i32
        %dma_start3A_94 = tpu.memref_slice %arg7[%add3A_92, %dma_start3A_93] : memref<40x128xi32, #tpu.memory_space<vmem>> -> memref<1x128xi32, #tpu.memory_space<vmem>>
        %dma_start3A_95 = tpu.memref_squeeze %dma_start3A_94 : memref<1x128xi32, #tpu.memory_space<vmem>> -> memref<128xi32, #tpu.memory_space<vmem>>
        %dma_start3A_96 = arith.constant 0 : i32
        %dma_start3A_97 = arith.constant 0 : i32
        %dma_start3A_98 = tpu.memref_slice %arg2[%dma_start3A_96, %dma_start3A_97] : memref<10000x128xf32, #tpu.memory_space<hbm>> -> memref<10000x128xf32, #tpu.memory_space<hbm>>
        tpu.enqueue_indirect_dma source(%dma_start3A_98 : memref<10000x128xf32, #tpu.memory_space<hbm>>) target(%arg10 : memref<128x128xf32, #tpu.memory_space<vmem>>) offsets(%dma_start3A_95 : memref<128xi32, #tpu.memory_space<vmem>>) semaphore(%arg12 : memref<!tpu.dma_semaphore, #tpu.memory_space<semaphore_mem>>)
      } else {
      }
    }
    %scan3A_27 = arith.constant 20 : i32
    %mul3A_28 = arith.constant 80 : i32
    %mul3A_29 = arith.muli %add3A, %mul3A_28 : i32
    %add3A_30 = arith.constant 40 : i32
    %add3A_31 = arith.addi %mul3A_29, %add3A_30 : i32
    "tpu.region"() ({
      %run_scoped3A = tpu.sem_alloc : memref<!tpu.dma_semaphore, #tpu.memory_space<semaphore_mem>>
      %dma_start3A_60 = arith.constant 0 : i32
      %dma_start3A_61 = tpu.memref_slice %arg3[%add3A_31, %dma_start3A_60] : memref<2560x128xi32, #tpu.memory_space<hbm>> -> memref<40x128xi32, #tpu.memory_space<hbm>>
      %dma_start3A_62 = arith.constant 0 : i32
      %dma_start3A_63 = tpu.memref_slice %arg3[%add3A_31, %dma_start3A_62] : memref<2560x128xi32, #tpu.memory_space<hbm>> -> memref<40x128xi32, #tpu.memory_space<hbm>>
      tpu.enqueue_dma source(%dma_start3A_63 : memref<40x128xi32, #tpu.memory_space<hbm>>) target(%arg7 : memref<40x128xi32, #tpu.memory_space<vmem>>) target_semaphore(%run_scoped3A : memref<!tpu.dma_semaphore, #tpu.memory_space<semaphore_mem>>)
      %dma_wait3A = arith.constant 0 : i32
      %dma_wait3A_64 = tpu.memref_slice %arg3[%add3A_31, %dma_wait3A] : memref<2560x128xi32, #tpu.memory_space<hbm>> -> memref<40x128xi32, #tpu.memory_space<hbm>>
      %dma_wait3A_65 = arith.constant 0 : i32
      %dma_wait3A_66 = tpu.memref_slice %arg3[%add3A_31, %dma_wait3A_65] : memref<2560x128xi32, #tpu.memory_space<hbm>> -> memref<40x128xi32, #tpu.memory_space<hbm>>
      tpu.wait_dma2 semaphore(%run_scoped3A : memref<!tpu.dma_semaphore, #tpu.memory_space<semaphore_mem>>) src(%dma_wait3A_66 : memref<40x128xi32, #tpu.memory_space<hbm>>) dst(%arg7 : memref<40x128xi32, #tpu.memory_space<vmem>>)
      tpu.yield
    }) : () -> ()
    %mul3A_32 = arith.constant 80 : i32
    %mul3A_33 = arith.muli %add3A, %mul3A_32 : i32
    %add3A_34 = arith.constant 40 : i32
    %add3A_35 = arith.addi %mul3A_33, %add3A_34 : i32
    "tpu.region"() ({
      %run_scoped3A = tpu.sem_alloc : memref<!tpu.dma_semaphore, #tpu.memory_space<semaphore_mem>>
      %dma_start3A_60 = arith.constant 0 : i32
      %dma_start3A_61 = tpu.memref_slice %arg4[%add3A_35, %dma_start3A_60] : memref<2560x128xi32, #tpu.memory_space<hbm>> -> memref<40x128xi32, #tpu.memory_space<hbm>>
      %dma_start3A_62 = arith.constant 0 : i32
      %dma_start3A_63 = tpu.memref_slice %arg4[%add3A_35, %dma_start3A_62] : memref<2560x128xi32, #tpu.memory_space<hbm>> -> memref<40x128xi32, #tpu.memory_space<hbm>>
      tpu.enqueue_dma source(%dma_start3A_63 : memref<40x128xi32, #tpu.memory_space<hbm>>) target(%arg8 : memref<40x128xi32, #tpu.memory_space<vmem>>) target_semaphore(%run_scoped3A : memref<!tpu.dma_semaphore, #tpu.memory_space<semaphore_mem>>)
      %dma_wait3A = arith.constant 0 : i32
      %dma_wait3A_64 = tpu.memref_slice %arg4[%add3A_35, %dma_wait3A] : memref<2560x128xi32, #tpu.memory_space<hbm>> -> memref<40x128xi32, #tpu.memory_space<hbm>>
      %dma_wait3A_65 = arith.constant 0 : i32
      %dma_wait3A_66 = tpu.memref_slice %arg4[%add3A_35, %dma_wait3A_65] : memref<2560x128xi32, #tpu.memory_space<hbm>> -> memref<40x128xi32, #tpu.memory_space<hbm>>
      tpu.wait_dma2 semaphore(%run_scoped3A : memref<!tpu.dma_semaphore, #tpu.memory_space<semaphore_mem>>) src(%dma_wait3A_66 : memref<40x128xi32, #tpu.memory_space<hbm>>) dst(%arg8 : memref<40x128xi32, #tpu.memory_space<vmem>>)
      tpu.yield
    }) : () -> ()
    %dma_start3A_36 = arith.constant 0 : i32
    %dma_start3A_37 = arith.constant 0 : i32
    %dma_start3A_38 = tpu.memref_slice %arg7[%dma_start3A_36, %dma_start3A_37] : memref<40x128xi32, #tpu.memory_space<vmem>> -> memref<1x128xi32, #tpu.memory_space<vmem>>
    %dma_start3A_39 = tpu.memref_squeeze %dma_start3A_38 : memref<1x128xi32, #tpu.memory_space<vmem>> -> memref<128xi32, #tpu.memory_space<vmem>>
    %dma_start3A_40 = arith.constant 0 : i32
    %dma_start3A_41 = arith.constant 0 : i32
    %dma_start3A_42 = tpu.memref_slice %arg2[%dma_start3A_40, %dma_start3A_41] : memref<10000x128xf32, #tpu.memory_space<hbm>> -> memref<10000x128xf32, #tpu.memory_space<hbm>>
    tpu.enqueue_indirect_dma source(%dma_start3A_42 : memref<10000x128xf32, #tpu.memory_space<hbm>>) target(%arg9 : memref<128x128xf32, #tpu.memory_space<vmem>>) offsets(%dma_start3A_39 : memref<128xi32, #tpu.memory_space<vmem>>) semaphore(%arg11 : memref<!tpu.dma_semaphore, #tpu.memory_space<semaphore_mem>>)
    %dma_start3A_43 = arith.constant 1 : i32
    %dma_start3A_44 = arith.constant 0 : i32
    %dma_start3A_45 = tpu.memref_slice %arg7[%dma_start3A_43, %dma_start3A_44] : memref<40x128xi32, #tpu.memory_space<vmem>> -> memref<1x128xi32, #tpu.memory_space<vmem>>
    %dma_start3A_46 = tpu.memref_squeeze %dma_start3A_45 : memref<1x128xi32, #tpu.memory_space<vmem>> -> memref<128xi32, #tpu.memory_space<vmem>>
    %dma_start3A_47 = arith.constant 0 : i32
    %dma_start3A_48 = arith.constant 0 : i32
    %dma_start3A_49 = tpu.memref_slice %arg2[%dma_start3A_47, %dma_start3A_48] : memref<10000x128xf32, #tpu.memory_space<hbm>> -> memref<10000x128xf32, #tpu.memory_space<hbm>>
    tpu.enqueue_indirect_dma source(%dma_start3A_49 : memref<10000x128xf32, #tpu.memory_space<hbm>>) target(%arg10 : memref<128x128xf32, #tpu.memory_space<vmem>>) offsets(%dma_start3A_46 : memref<128xi32, #tpu.memory_space<vmem>>) semaphore(%arg12 : memref<!tpu.dma_semaphore, #tpu.memory_space<semaphore_mem>>)
    %scan3A_50 = arith.constant 0 : i32
    %scan3A_51 = arith.constant 20 : i32
    %scan3A_52 = arith.addi %scan3A_50, %scan3A_51 : i32
    %scan3A_53 = arith.constant 1 : i32
    scf.for %scan3A_60 = %scan3A_50 to %scan3A_52 step %scan3A_53  : i32 {
      %mul3A_61 = arith.constant 2 : i32
      %mul3A_62 = arith.muli %scan3A_60, %mul3A_61 : i32
      %add3A_63 = arith.constant 0 : i32
      %add3A_64 = arith.addi %add3A_63, %mul3A_62 : i32
      %add3A_65 = arith.constant 0 : i32
      %add3A_66 = arith.addi %add3A_64, %add3A_65 : i32
      %dma_wait3A = arith.constant 0 : i32
      %dma_wait3A_67 = tpu.memref_slice %arg7[%add3A_66, %dma_wait3A] : memref<40x128xi32, #tpu.memory_space<vmem>> -> memref<1x128xi32, #tpu.memory_space<vmem>>
      %dma_wait3A_68 = tpu.memref_squeeze %dma_wait3A_67 : memref<1x128xi32, #tpu.memory_space<vmem>> -> memref<128xi32, #tpu.memory_space<vmem>>
      %dma_wait3A_69 = arith.constant 0 : i32
      %dma_wait3A_70 = arith.constant 0 : i32
      %dma_wait3A_71 = tpu.memref_slice %arg2[%dma_wait3A_69, %dma_wait3A_70] : memref<10000x128xf32, #tpu.memory_space<hbm>> -> memref<10000x128xf32, #tpu.memory_space<hbm>>
      tpu.wait_indirect_dma semaphore(%arg11 : memref<!tpu.dma_semaphore, #tpu.memory_space<semaphore_mem>>) src(%dma_wait3A_71 : memref<10000x128xf32, #tpu.memory_space<hbm>>) dst(%arg9 : memref<128x128xf32, #tpu.memory_space<vmem>>)
      "tpu.region"() ({
        %run_scoped3A = tpu.sem_alloc : memref<!tpu.dma_semaphore, #tpu.memory_space<semaphore_mem>>
        %dma_start3A_91 = arith.constant 0 : i32
        %dma_start3A_92 = tpu.memref_slice %arg8[%add3A_66, %dma_start3A_91] : memref<40x128xi32, #tpu.memory_space<vmem>> -> memref<1x128xi32, #tpu.memory_space<vmem>>
        %dma_start3A_93 = tpu.memref_squeeze %dma_start3A_92 : memref<1x128xi32, #tpu.memory_space<vmem>> -> memref<128xi32, #tpu.memory_space<vmem>>
        %dma_start3A_94 = arith.constant 0 : i32
        %dma_start3A_95 = arith.constant 0 : i32
        %dma_start3A_96 = tpu.memref_slice %arg13[%dma_start3A_94, %dma_start3A_95] : memref<10240x128xf32, #tpu.memory_space<vmem_shared>> -> memref<10240x128xf32, #tpu.memory_space<vmem_shared>>
        tpu.enqueue_indirect_dma source(%arg9 : memref<128x128xf32, #tpu.memory_space<vmem>>) target(%dma_start3A_96 : memref<10240x128xf32, #tpu.memory_space<vmem_shared>>) offsets(%dma_start3A_93 : memref<128xi32, #tpu.memory_space<vmem>>) semaphore(%run_scoped3A : memref<!tpu.dma_semaphore, #tpu.memory_space<semaphore_mem>>) {add = true}
        %dma_wait3A_97 = arith.constant 0 : i32
        %dma_wait3A_98 = tpu.memref_slice %arg8[%add3A_66, %dma_wait3A_97] : memref<40x128xi32, #tpu.memory_space<vmem>> -> memref<1x128xi32, #tpu.memory_space<vmem>>
        %dma_wait3A_99 = tpu.memref_squeeze %dma_wait3A_98 : memref<1x128xi32, #tpu.memory_space<vmem>> -> memref<128xi32, #tpu.memory_space<vmem>>
        %dma_wait3A_100 = arith.constant 0 : i32
        %dma_wait3A_101 = arith.constant 0 : i32
        %dma_wait3A_102 = tpu.memref_slice %arg13[%dma_wait3A_100, %dma_wait3A_101] : memref<10240x128xf32, #tpu.memory_space<vmem_shared>> -> memref<10240x128xf32, #tpu.memory_space<vmem_shared>>
        tpu.wait_indirect_dma semaphore(%run_scoped3A : memref<!tpu.dma_semaphore, #tpu.memory_space<semaphore_mem>>) src(%arg9 : memref<128x128xf32, #tpu.memory_space<vmem>>) dst(%dma_wait3A_102 : memref<10240x128xf32, #tpu.memory_space<vmem_shared>>)
        tpu.yield
      }) : () -> ()
      %add3A_72 = arith.constant 2 : i32
      %add3A_73 = arith.addi %add3A_66, %add3A_72 : i32
      %lt3A = arith.constant 40 : i32
      %lt3A_74 = arith.cmpi slt, %add3A_73, %lt3A : i32
      %convert_element_type3A = arith.extui %lt3A_74 : i1 to i32
      %cond3A = arith.constant 0 : i32
      %cond3A_75 = arith.cmpi ne, %convert_element_type3A, %cond3A : i32
      scf.if %cond3A_75 {
        %add3A_91 = arith.constant 2 : i32
        %add3A_92 = arith.addi %add3A_66, %add3A_91 : i32
        %dma_start3A_93 = arith.constant 0 : i32
        %dma_start3A_94 = tpu.memref_slice %arg7[%add3A_92, %dma_start3A_93] : memref<40x128xi32, #tpu.memory_space<vmem>> -> memref<1x128xi32, #tpu.memory_space<vmem>>
        %dma_start3A_95 = tpu.memref_squeeze %dma_start3A_94 : memref<1x128xi32, #tpu.memory_space<vmem>> -> memref<128xi32, #tpu.memory_space<vmem>>
        %dma_start3A_96 = arith.constant 0 : i32
        %dma_start3A_97 = arith.constant 0 : i32
        %dma_start3A_98 = tpu.memref_slice %arg2[%dma_start3A_96, %dma_start3A_97] : memref<10000x128xf32, #tpu.memory_space<hbm>> -> memref<10000x128xf32, #tpu.memory_space<hbm>>
        tpu.enqueue_indirect_dma source(%dma_start3A_98 : memref<10000x128xf32, #tpu.memory_space<hbm>>) target(%arg9 : memref<128x128xf32, #tpu.memory_space<vmem>>) offsets(%dma_start3A_95 : memref<128xi32, #tpu.memory_space<vmem>>) semaphore(%arg11 : memref<!tpu.dma_semaphore, #tpu.memory_space<semaphore_mem>>)
      } else {
      }
      %add3A_76 = arith.constant 1 : i32
      %add3A_77 = arith.addi %add3A_64, %add3A_76 : i32
      %dma_wait3A_78 = arith.constant 0 : i32
      %dma_wait3A_79 = tpu.memref_slice %arg7[%add3A_77, %dma_wait3A_78] : memref<40x128xi32, #tpu.memory_space<vmem>> -> memref<1x128xi32, #tpu.memory_space<vmem>>
      %dma_wait3A_80 = tpu.memref_squeeze %dma_wait3A_79 : memref<1x128xi32, #tpu.memory_space<vmem>> -> memref<128xi32, #tpu.memory_space<vmem>>
      %dma_wait3A_81 = arith.constant 0 : i32
      %dma_wait3A_82 = arith.constant 0 : i32
      %dma_wait3A_83 = tpu.memref_slice %arg2[%dma_wait3A_81, %dma_wait3A_82] : memref<10000x128xf32, #tpu.memory_space<hbm>> -> memref<10000x128xf32, #tpu.memory_space<hbm>>
      tpu.wait_indirect_dma semaphore(%arg12 : memref<!tpu.dma_semaphore, #tpu.memory_space<semaphore_mem>>) src(%dma_wait3A_83 : memref<10000x128xf32, #tpu.memory_space<hbm>>) dst(%arg10 : memref<128x128xf32, #tpu.memory_space<vmem>>)
      "tpu.region"() ({
        %run_scoped3A = tpu.sem_alloc : memref<!tpu.dma_semaphore, #tpu.memory_space<semaphore_mem>>
        %dma_start3A_91 = arith.constant 0 : i32
        %dma_start3A_92 = tpu.memref_slice %arg8[%add3A_77, %dma_start3A_91] : memref<40x128xi32, #tpu.memory_space<vmem>> -> memref<1x128xi32, #tpu.memory_space<vmem>>
        %dma_start3A_93 = tpu.memref_squeeze %dma_start3A_92 : memref<1x128xi32, #tpu.memory_space<vmem>> -> memref<128xi32, #tpu.memory_space<vmem>>
        %dma_start3A_94 = arith.constant 0 : i32
        %dma_start3A_95 = arith.constant 0 : i32
        %dma_start3A_96 = tpu.memref_slice %arg13[%dma_start3A_94, %dma_start3A_95] : memref<10240x128xf32, #tpu.memory_space<vmem_shared>> -> memref<10240x128xf32, #tpu.memory_space<vmem_shared>>
        tpu.enqueue_indirect_dma source(%arg10 : memref<128x128xf32, #tpu.memory_space<vmem>>) target(%dma_start3A_96 : memref<10240x128xf32, #tpu.memory_space<vmem_shared>>) offsets(%dma_start3A_93 : memref<128xi32, #tpu.memory_space<vmem>>) semaphore(%run_scoped3A : memref<!tpu.dma_semaphore, #tpu.memory_space<semaphore_mem>>) {add = true}
        %dma_wait3A_97 = arith.constant 0 : i32
        %dma_wait3A_98 = tpu.memref_slice %arg8[%add3A_77, %dma_wait3A_97] : memref<40x128xi32, #tpu.memory_space<vmem>> -> memref<1x128xi32, #tpu.memory_space<vmem>>
        %dma_wait3A_99 = tpu.memref_squeeze %dma_wait3A_98 : memref<1x128xi32, #tpu.memory_space<vmem>> -> memref<128xi32, #tpu.memory_space<vmem>>
        %dma_wait3A_100 = arith.constant 0 : i32
        %dma_wait3A_101 = arith.constant 0 : i32
        %dma_wait3A_102 = tpu.memref_slice %arg13[%dma_wait3A_100, %dma_wait3A_101] : memref<10240x128xf32, #tpu.memory_space<vmem_shared>> -> memref<10240x128xf32, #tpu.memory_space<vmem_shared>>
        tpu.wait_indirect_dma semaphore(%run_scoped3A : memref<!tpu.dma_semaphore, #tpu.memory_space<semaphore_mem>>) src(%arg10 : memref<128x128xf32, #tpu.memory_space<vmem>>) dst(%dma_wait3A_102 : memref<10240x128xf32, #tpu.memory_space<vmem_shared>>)
        tpu.yield
      }) : () -> ()
      %add3A_84 = arith.constant 2 : i32
      %add3A_85 = arith.addi %add3A_77, %add3A_84 : i32
      %lt3A_86 = arith.constant 40 : i32
      %lt3A_87 = arith.cmpi slt, %add3A_85, %lt3A_86 : i32
      %convert_element_type3A_88 = arith.extui %lt3A_87 : i1 to i32
      %cond3A_89 = arith.constant 0 : i32
      %cond3A_90 = arith.cmpi ne, %convert_element_type3A_88, %cond3A_89 : i32
      scf.if %cond3A_90 {
        %add3A_91 = arith.constant 2 : i32
        %add3A_92 = arith.addi %add3A_77, %add3A_91 : i32
        %dma_start3A_93 = arith.constant 0 : i32
        %dma_start3A_94 = tpu.memref_slice %arg7[%add3A_92, %dma_start3A_93] : memref<40x128xi32, #tpu.memory_space<vmem>> -> memref<1x128xi32, #tpu.memory_space<vmem>>
        %dma_start3A_95 = tpu.memref_squeeze %dma_start3A_94 : memref<1x128xi32, #tpu.memory_space<vmem>> -> memref<128xi32, #tpu.memory_space<vmem>>
        %dma_start3A_96 = arith.constant 0 : i32
        %dma_start3A_97 = arith.constant 0 : i32
        %dma_start3A_98 = tpu.memref_slice %arg2[%dma_start3A_96, %dma_start3A_97] : memref<10000x128xf32, #tpu.memory_space<hbm>> -> memref<10000x128xf32, #tpu.memory_space<hbm>>
        tpu.enqueue_indirect_dma source(%dma_start3A_98 : memref<10000x128xf32, #tpu.memory_space<hbm>>) target(%arg10 : memref<128x128xf32, #tpu.memory_space<vmem>>) offsets(%dma_start3A_95 : memref<128xi32, #tpu.memory_space<vmem>>) semaphore(%arg12 : memref<!tpu.dma_semaphore, #tpu.memory_space<semaphore_mem>>)
      } else {
      }
    }
    %scan3A_54 = arith.constant 20 : i32
    %barrier3A_55 = arith.constant 0 : index
    tpu.barrier barrier_id(%barrier3A_55)
    %mul3A_56 = arith.constant 640 : i32
    %mul3A_57 = arith.muli %arg1, %mul3A_56 : i32
    %mul3A_58 = arith.constant 640 : i32
    %mul3A_59 = arith.muli %arg1, %mul3A_58 : i32
    "tpu.region"() ({
      %run_scoped3A = tpu.sem_alloc : memref<!tpu.dma_semaphore, #tpu.memory_space<semaphore_mem>>
      %dma_start3A_60 = arith.constant 0 : i32
      %dma_start3A_61 = tpu.memref_slice %arg6[%arg0, %mul3A_59, %dma_start3A_60] : memref<2x10240x128xf32, #tpu.memory_space<hbm>> -> memref<1x640x128xf32, #tpu.memory_space<hbm>>
      %dma_start3A_62 = tpu.memref_squeeze %dma_start3A_61 : memref<1x640x128xf32, #tpu.memory_space<hbm>> -> memref<640x128xf32, #tpu.memory_space<hbm>>
      %dma_start3A_63 = arith.constant 0 : i32
      %dma_start3A_64 = tpu.memref_slice %arg13[%mul3A_57, %dma_start3A_63] : memref<10240x128xf32, #tpu.memory_space<vmem_shared>> -> memref<640x128xf32, #tpu.memory_space<vmem_shared>>
      tpu.enqueue_dma source(%dma_start3A_64 : memref<640x128xf32, #tpu.memory_space<vmem_shared>>) target(%dma_start3A_62 : memref<640x128xf32, #tpu.memory_space<hbm>>) target_semaphore(%run_scoped3A : memref<!tpu.dma_semaphore, #tpu.memory_space<semaphore_mem>>)
      %dma_wait3A = arith.constant 0 : i32
      %dma_wait3A_65 = tpu.memref_slice %arg6[%arg0, %mul3A_59, %dma_wait3A] : memref<2x10240x128xf32, #tpu.memory_space<hbm>> -> memref<1x640x128xf32, #tpu.memory_space<hbm>>
      %dma_wait3A_66 = tpu.memref_squeeze %dma_wait3A_65 : memref<1x640x128xf32, #tpu.memory_space<hbm>> -> memref<640x128xf32, #tpu.memory_space<hbm>>
      %dma_wait3A_67 = arith.constant 0 : i32
      %dma_wait3A_68 = tpu.memref_slice %arg13[%mul3A_57, %dma_wait3A_67] : memref<10240x128xf32, #tpu.memory_space<vmem_shared>> -> memref<640x128xf32, #tpu.memory_space<vmem_shared>>
      tpu.wait_dma2 semaphore(%run_scoped3A : memref<!tpu.dma_semaphore, #tpu.memory_space<semaphore_mem>>) src(%dma_wait3A_68 : memref<640x128xf32, #tpu.memory_space<vmem_shared>>) dst(%dma_wait3A_66 : memref<640x128xf32, #tpu.memory_space<hbm>>)
      tpu.yield
    }) : () -> ()
    return
  }
}

module attributes {stable_mosaic.version = 14 : i64} {
  func.func @_tc_node_body(%arg0: i32, %arg1: memref<1000x128xf32, #tpu.memory_space<vmem>>, %arg2: memref<128x256xf32, #tpu.memory_space<vmem>>, %arg3: memref<1x256xf32, #tpu.memory_space<vmem>>, %arg4: memref<1000x256xf32, #tpu.memory_space<vmem>>) attributes {dimension_semantics = [#tpu.dimension_semantics<arbitrary>], iteration_bounds = array<i64: 10>, scalar_prefetch = 0 : i64, scratch_operands = 0 : i64, tpu.core_type = #tpu.core_type<tc>, window_params = [{transform_indices = @transform_0, window_bounds = array<i64: 1000, 128>}, {pipeline_mode = #tpu.pipeline_mode<synchronous>, transform_indices = @transform_1, window_bounds = array<i64: 128, 256>}, {pipeline_mode = #tpu.pipeline_mode<synchronous>, transform_indices = @transform_2, window_bounds = array<i64: 1, 256>}, {transform_indices = @transform_3, window_bounds = array<i64: 1000, 256>}]} {
    %get3A = arith.constant 0 : index
    %get3A_0 = arith.constant 0 : index
    %get3A_1 = vector.load %arg1[%get3A, %get3A_0] : memref<1000x128xf32, #tpu.memory_space<vmem>>, vector<1000x128xf32>
    %get3A_2 = arith.constant 0 : index
    %get3A_3 = arith.constant 0 : index
    %get3A_4 = vector.load %arg2[%get3A_2, %get3A_3] : memref<128x256xf32, #tpu.memory_space<vmem>>, vector<128x256xf32>
    %dot_general3A = arith.constant dense<0.000000e+00> : vector<1000x256xf32>
    %dot_general3A_5 = tpu.matmul %get3A_1, %get3A_4, %dot_general3A {dimension_numbers = #tpu.dot_dimension_numbers<[1], [0], [0], [1], [0, 0, 1, 1], [], []>, transpose_lhs_hint = false} : vector<1000x128xf32>, vector<128x256xf32>, vector<1000x256xf32> -> vector<1000x256xf32>
    %get3A_6 = arith.constant 0 : index
    %get3A_7 = arith.constant 0 : index
    %get3A_8 = vector.load %arg3[%get3A_6, %get3A_7] : memref<1x256xf32, #tpu.memory_space<vmem>>, vector<1x256xf32>
    %add3A = vector.broadcast %get3A_8 : vector<1x256xf32> to vector<1000x256xf32>
    %add3A_9 = arith.addf %dot_general3A_5, %add3A : vector<1000x256xf32>
    %max3A = arith.constant 0.000000e+00 : f32
    %max3A_10 = vector.broadcast %max3A : f32 to vector<1000x256xf32>
    %max3A_11 = arith.maximumf %add3A_9, %max3A_10 : vector<1000x256xf32>
    %swap3A = arith.constant 0 : index
    %swap3A_12 = arith.constant 0 : index
    %swap3A_13 = vector.load %arg4[%swap3A, %swap3A_12] : memref<1000x256xf32, #tpu.memory_space<vmem>>, vector<1000x256xf32>
    tpu.vector_store %arg4[%swap3A, %swap3A_12], %max3A_11 {strides = array<i32>} : memref<1000x256xf32, #tpu.memory_space<vmem>>, vector<1000x256xf32>,
    return
  }
  func.func @transform_0(%arg0: i32) -> (i32, i32) {
    %c0_i32 = arith.constant 0 : i32
    %c0_i32_0 = arith.constant 0 : i32
    return %arg0, %c0_i32 : i32, i32
  }
  func.func @transform_1(%arg0: i32) -> (i32, i32) {
    %c0_i32 = arith.constant 0 : i32
    %c0_i32_0 = arith.constant 0 : i32
    %c0_i32_1 = arith.constant 0 : i32
    return %c0_i32, %c0_i32_0 : i32, i32
  }
  func.func @transform_2(%arg0: i32) -> (i32, i32) {
    %c0_i32 = arith.constant 0 : i32
    %c0_i32_0 = arith.constant 0 : i32
    %c0_i32_1 = arith.constant 0 : i32
    return %c0_i32, %c0_i32_0 : i32, i32
  }
  func.func @transform_3(%arg0: i32) -> (i32, i32) {
    %c0_i32 = arith.constant 0 : i32
    %c0_i32_0 = arith.constant 0 : i32
    return %arg0, %c0_i32 : i32, i32
  }
}

module attributes {stable_mosaic.version = 14 : i64} {
  func.func @_tc_edge_body(%arg0: i32, %arg1: memref<2x1000x128xf32, #tpu.memory_space<vmem>>, %arg2: memref<128x256xf32, #tpu.memory_space<vmem>>, %arg3: memref<1x256xf32, #tpu.memory_space<vmem>>, %arg4: memref<1000x256xf32, #tpu.memory_space<vmem>>) attributes {dimension_semantics = [#tpu.dimension_semantics<arbitrary>], iteration_bounds = array<i64: 10>, scalar_prefetch = 0 : i64, scratch_operands = 0 : i64, tpu.core_type = #tpu.core_type<tc>, window_params = [{transform_indices = @transform_0, window_bounds = array<i64: 2, 1000, 128>}, {pipeline_mode = #tpu.pipeline_mode<synchronous>, transform_indices = @transform_1, window_bounds = array<i64: 128, 256>}, {pipeline_mode = #tpu.pipeline_mode<synchronous>, transform_indices = @transform_2, window_bounds = array<i64: 1, 256>}, {transform_indices = @transform_3, window_bounds = array<i64: 1000, 256>}]} {
    %get3A = arith.constant 0 : index
    %get3A_0 = arith.constant 0 : index
    %get3A_1 = arith.constant 0 : index
    %get3A_2 = vector.load %arg1[%get3A, %get3A_0, %get3A_1] : memref<2x1000x128xf32, #tpu.memory_space<vmem>>, vector<1x1000x128xf32>
    %get3A_3 = vector.shape_cast %get3A_2 : vector<1x1000x128xf32> to vector<1000x128xf32>
    %get3A_4 = arith.constant 1 : index
    %get3A_5 = arith.constant 0 : index
    %get3A_6 = arith.constant 0 : index
    %get3A_7 = vector.load %arg1[%get3A_4, %get3A_5, %get3A_6] : memref<2x1000x128xf32, #tpu.memory_space<vmem>>, vector<1x1000x128xf32>
    %get3A_8 = vector.shape_cast %get3A_7 : vector<1x1000x128xf32> to vector<1000x128xf32>
    %add3A = arith.addf %get3A_3, %get3A_8 : vector<1000x128xf32>
    %get3A_9 = arith.constant 0 : index
    %get3A_10 = arith.constant 0 : index
    %get3A_11 = vector.load %arg2[%get3A_9, %get3A_10] : memref<128x256xf32, #tpu.memory_space<vmem>>, vector<128x256xf32>
    %dot_general3A = arith.constant dense<0.000000e+00> : vector<1000x256xf32>
    %dot_general3A_12 = tpu.matmul %add3A, %get3A_11, %dot_general3A {dimension_numbers = #tpu.dot_dimension_numbers<[1], [0], [0], [1], [0, 0, 1, 1], [], []>, transpose_lhs_hint = false} : vector<1000x128xf32>, vector<128x256xf32>, vector<1000x256xf32> -> vector<1000x256xf32>
    %get3A_13 = arith.constant 0 : index
    %get3A_14 = arith.constant 0 : index
    %get3A_15 = vector.load %arg3[%get3A_13, %get3A_14] : memref<1x256xf32, #tpu.memory_space<vmem>>, vector<1x256xf32>
    %add3A_16 = vector.broadcast %get3A_15 : vector<1x256xf32> to vector<1000x256xf32>
    %add3A_17 = arith.addf %dot_general3A_12, %add3A_16 : vector<1000x256xf32>
    %max3A = arith.constant 0.000000e+00 : f32
    %max3A_18 = vector.broadcast %max3A : f32 to vector<1000x256xf32>
    %max3A_19 = arith.maximumf %add3A_17, %max3A_18 : vector<1000x256xf32>
    %swap3A = arith.constant 0 : index
    %swap3A_20 = arith.constant 0 : index
    %swap3A_21 = vector.load %arg4[%swap3A, %swap3A_20] : memref<1000x256xf32, #tpu.memory_space<vmem>>, vector<1000x256xf32>
    tpu.vector_store %arg4[%swap3A, %swap3A_20], %max3A_19 {strides = array<i32>} : memref<1000x256xf32, #tpu.memory_space<vmem>>, vector<1000x256xf32>,
    return
  }
  func.func @transform_0(%arg0: i32) -> (i32, i32, i32) {
    %c0_i32 = arith.constant 0 : i32
    %c0_i32_0 = arith.constant 0 : i32
    %c0_i32_1 = arith.constant 0 : i32
    return %c0_i32, %arg0, %c0_i32_0 : i32, i32, i32
  }
  func.func @transform_1(%arg0: i32) -> (i32, i32) {
    %c0_i32 = arith.constant 0 : i32
    %c0_i32_0 = arith.constant 0 : i32
    %c0_i32_1 = arith.constant 0 : i32
    return %c0_i32, %c0_i32_0 : i32, i32
  }
  func.func @transform_2(%arg0: i32) -> (i32, i32) {
    %c0_i32 = arith.constant 0 : i32
    %c0_i32_0 = arith.constant 0 : i32
    %c0_i32_1 = arith.constant 0 : i32
    return %c0_i32, %c0_i32_0 : i32, i32
  }
  func.func @transform_3(%arg0: i32) -> (i32, i32) {
    %c0_i32 = arith.constant 0 : i32
    %c0_i32_0 = arith.constant 0 : i32
    return %arg0, %c0_i32 : i32, i32
  }
}

</mosaic_0001>

<sc_bundles>
// kernel: kernel.5.cloned.1.call-start
scs
__scs_entry_jumppad:
0x0: {  	(pc) =	sbr.rel $0x88, $3  }
0x1: {  	(tag) =	ssettag $0x0;
	lr =	simm.s32 $0x1  }
0x2: {  	[smem:$0x3F98] =	sst lr;
	_ =	strace $0xD0000000  }
0x3: {  	_ = 	snop  }
0x4: {  	_ = 	snop  }
0x5: {  	_ = 	snop  }
0x6: {  	_ = 	snop  }
0x7: {  	_ = 	snop  }
__scs_overlays_trampoline_lowered:
0x8: {  	[smem:$0x3FA7] =	sst s0  }
0x9: {  	[smem:$0x3FA8] =	sst s1  }
0xa: {  	[smem:$0x3FA9] =	sst s2  }
0xb: {  	[smem:$0x3FAA] =	sst s3  }
0xc: {  	[smem:$0x3FAB] =	sst s4  }
0xd: {  	[smem:$0x3FAC] =	sst s5  }
0xe: {  	[smem:$0x3FAD] =	sst s6  }
0xf: {  	[smem:$0x3FAE] =	sst s7  }
0x10: {  	[smem:$0x3FAF] =	sst s8  }
0x11: {  	[smem:$0x3FB0] =	sst s9;
	s0 =	simm.s32 @!p0 $0x0  }
0x12: {  	s1 =	sld [smem:$0x3F96];
	s0 =	simm.s32 @p0 $0x1  }
0x13: {  	[smem:$0x3FB1] =	sst s0;
	s0 =	simm.s32 @!p1 $0x0  }
0x14: {  	s2 =	sld [smem:$0x3F95];
	s0 =	simm.s32 @p1 $0x1  }
0x15: {  	[smem:$0x3FB2] =	sst s0;
	s0 =	simm.s32 @!p2 $0x0  }
0x16: {  	s3 =	sld [smem:$0x3FDB];
	s0 =	simm.s32 @p2 $0x1  }
0x17: {  	s4 =	simm.s32 $0x1BF5;
	[smem:$0x3FB4] =	sst s0  }
0x18: {  	s0 =	sld [smem:$0x3F97];
	_ =	swait.ge [sflag:s4], $0x0  }
0x19: {  	s7 =	sld [smem:$0x3F98]  }
0x1a: {  	s8 =	sadd.s32 $0xFFFFE003, lr  }
0x1b: {  	s9 =	sadd.s32 $0xFFFFFEF7, lr;
	s5 =	simm.s32 $0xFFFFFFFF;
	p2 =	slt.u32 s8, $0xFFFFF086  }
0x1c: {  	p1 =	slt.u32 s9, $0xF7A;
	s5 =	simm.s32 @!p2 $0x0  }
0x1d: {  	s5 =	simm.s32 @p1 $0x1;
	p0 =	seq.s32 s7, s2  }
0x1e: {  	s7 =	smul.u32 @!p0 $0xF7A, s2;
	p2 =	seq.s32 @!p0 s5, $0x0  }
0x1f: {  	s9 =	smul.u32 $0xF7A, s1;
	s8 =	simm.s32 @!p0 $0x1BF5;
	p2 =	por !p2, p0  }
0x20: {  	[sflag:s8] =	ssyncset.s32 @!p0 $0xFFFFF086;
	s6 =	sadd.s32 @!p0 s3, s7;
	s7 =	simm.s32 @!p0 $0x108  }
0x21: {  	s3 =	sadd.s32 s3, s9;
	s6 =	sadd.s32 @!p0 $0x88, s6;
	s7 =	simm.s32 @p2 $0x1082  }
0x22: {  	[simem:s7], [sflag:s8] =	dma.local @!p0 [hbm:s6], $0xF7A  }
0x23: {  	s9 =	sor.u32 $0xD0000000, s2;
	s6 =	simm.s32 $0x108;
	_ =	swait.ge @!p0 [sflag:s8], $0x0  }
0x24: {  	s3 =	sadd.s32 $0x88, s3;
	s6 =	simm.s32 @!p1 $0x1082;
	[sflag:s4] =	ssyncset.s32 $0xFFFFF086  }
0x25: {  	[simem:s6], [sflag:s4] =	dma.local [hbm:s3], $0xF7A  }
0x26: {  	[smem:$0x3F98] =	sst s1;
	(tag) =	ssettag s2;
	_ =	strace s9  }
0x27: {  	s1 =	sld [smem:$0x3FA8]  }
0x28: {  	s2 =	sld [smem:$0x3FA9]  }
0x29: {  	s4 =	sld [smem:$0x3FAB]  }
0x2a: {  	p0 =	seq.s32 s5, $0x0;
	s5 =	sld [smem:$0x3FAC]  }
0x2b: {  	s6 =	sld [smem:$0x3FAD]  }
0x2c: {  	s7 =	sld [smem:$0x3FAE]  }
0x2d: {  	s3 =	simm.s32 $0x108;
	s8 =	sld [smem:$0x3FAF]  }
0x2e: {  	s3 =	simm.s32 @!p0 $0x1082;
	s9 =	sld [smem:$0x3FB0]  }
0x2f: {  	lr =	sadd.s32 s0, s3;
	s0 =	sld [smem:$0x3FA7]  }
0x30: {  	s3 =	sld [smem:$0x3FAA]  }
0x31: {  	[smem:$0x3FB3] =	sst s10  }
0x32: {  	s10 =	sld [smem:$0x3FB1];
	_ =	sdelay $0x3  }
0x33: {  	p0 =	seq.s32 s10, $0x1;
	s10 =	sld [smem:$0x3FB3];
	_ =	sdelay $0x3  }
0x34: {  	[smem:$0x3FB3] =	sst s10  }
0x35: {  	s10 =	sld [smem:$0x3FB2];
	_ =	sdelay $0x3  }
0x36: {  	p1 =	seq.s32 s10, $0x1;
	s10 =	sld [smem:$0x3FB3];
	_ =	sdelay $0x3  }
0x37: {  	[smem:$0x3FB3] =	sst s10  }
0x38: {  	s10 =	sld [smem:$0x3FB4]  }
0x39: {  	_ = 	snop;
	(pc) =	sbr.ind lr, $3  }
0x3a: {  	_ = 	snop  }
0x3b: {  	_ = 	snop  }
0x3c: {  	p2 =	seq.s32 s10, $0x1;
	s10 =	sld [smem:$0x3FB3]  }
0x3d: {  	_ =	shalt  }
0x3e: {  	_ =	shalt  }
0x3f: {  	_ =	shalt  }
0x40: {  	_ =	shalt  }
0x41: {  	_ =	shalt  }
0x42: {  	_ =	shalt  }
0x43: {  	_ =	shalt  }
0x44: {  	_ =	shalt  }
0x45: {  	_ =	shalt  }
0x46: {  	_ =	shalt  }
0x47: {  	_ =	shalt  }
0x48: {  	_ =	shalt  }
0x49: {  	_ =	shalt  }
0x4a: {  	_ =	shalt  }
0x4b: {  	_ =	shalt  }
0x4c: {  	_ =	shalt  }
0x4d: {  	_ =	shalt  }
0x4e: {  	_ =	shalt  }
0x4f: {  	_ =	shalt  }
0x50: {  	_ =	shalt  }
0x51: {  	_ =	shalt  }
0x52: {  	_ =	shalt  }
0x53: {  	_ =	shalt  }
0x54: {  	_ =	shalt  }
0x55: {  	_ =	shalt  }
0x56: {  	_ =	shalt  }
0x57: {  	_ =	shalt  }
0x58: {  	_ =	shalt  }
0x59: {  	_ =	shalt  }
0x5a: {  	_ =	shalt  }
0x5b: {  	_ =	shalt  }
0x5c: {  	_ =	shalt  }
0x5d: {  	_ =	shalt  }
0x5e: {  	_ =	shalt  }
0x5f: {  	_ =	shalt  }
0x60: {  	_ =	shalt  }
0x61: {  	_ =	shalt  }
0x62: {  	_ =	shalt  }
0x63: {  	_ =	shalt  }
0x64: {  	_ =	shalt  }
0x65: {  	_ =	shalt  }
0x66: {  	_ =	shalt  }
0x67: {  	_ =	shalt  }
0x68: {  	_ =	shalt  }
0x69: {  	_ =	shalt  }
0x6a: {  	_ =	shalt  }
0x6b: {  	_ =	shalt  }
0x6c: {  	_ =	shalt  }
0x6d: {  	_ =	shalt  }
0x6e: {  	_ =	shalt  }
0x6f: {  	_ =	shalt  }
0x70: {  	_ =	shalt  }
0x71: {  	_ =	shalt  }
0x72: {  	_ =	shalt  }
0x73: {  	_ =	shalt  }
0x74: {  	_ =	shalt  }
0x75: {  	_ =	shalt  }
0x76: {  	_ =	shalt  }
0x77: {  	_ =	shalt  }
0x78: {  	_ =	shalt  }
0x79: {  	_ =	shalt  }
0x7a: {  	_ =	shalt  }
0x7b: {  	_ =	shalt  }
0x7c: {  	_ =	shalt  }
0x7d: {  	_ =	shalt  }
0x7e: {  	_ =	shalt  }
0x7f: {  	_ =	shalt  }
0x80: {  	_ =	shalt  }
0x81: {  	_ =	shalt  }
0x82: {  	_ =	shalt  }
0x83: {  	_ =	shalt  }
0x84: {  	_ =	shalt  }
0x85: {  	_ =	shalt  }
0x86: {  	_ =	shalt  }
0x87: {  	_ =	shalt  }
.Lfunc_end0:
.L_simem_size_0:
called_computation_lowered:
.L_overlay_start_0:
0x88: {  	s2 =	sld [smem:$0x3FD9]  }
0x89: {  	s3 =	sld [smem:$0x3FFE];
	_ =	sdelay $0x1  }
0x8a: {  	s1 =	srdreg.scid  }
0x8b: {  	s0 =	sand.u32 $0x1, s1  }
0x8c: {  	s14 =	sshll.u32 s0, $0xA;
	s2 =	sadd.s32 s3, s2  }
0x8d: {  	s2 =	sadd.s32 s2, s14  }
0x8e: {  	[smem:$0x3FBF] =	sst s2  }
0x8f: {  	_ = 	snop  }
0x90: {  	s2 =	sld [smem:$0x3FD0];
	_ =	sdelay $0x2  }
0x91: {  	s4 =	simm.s32 $0xA;
	s5 =	simm.s32 $0x10;
	s15 =	sld [smem:$0x3FC9]  }
0x92: {  	[smem:s5], [sflag:s4] =	dma.local [hbm:s2], $0x1  }
0x93: {  	_ =	swait.eq [sflag:s4], $0x1  }
0x94: {  	[sflag:s4] =	ssyncset.done $0x0  }
0x95: {  	[sflag:s4] =	ssyncadd.s32 $0xFFFFFFFF  }
0x96: {  	s16 =	sld [smem:$0x13];
	(tm) =	ssettm $0x1  }
0x97: {  	s17 =	sld [smem:$0x3FFB];
	_ =	sdelay $0x3  }
0x98: {  	_ =	strace s17  }
0x99: {  	s4 =	sld [smem:$0x3FFC];
	_ =	sdelay $0x3  }
0x9a: {  	_ =	strace s4  }
0x9b: {  	s4 =	sld [smem:$0x3FFD];
	_ =	sdelay $0x3  }
0x9c: {  	_ =	strace s4  }
0x9d: {  	_ =	strace $0x8FFFFFFF  }
0x9e: {  	s18 =	sld [smem:$0x3FDB];
	_ =	sdelay $0x1  }
0x9f: {  	s19 =	simm.s32 $_scs_section_size  }
0xa0: {  	s6 =	simm.s32 $_size__tile_overlayer_lowered;
	s7 =	simm.s32 $_tile_overlayer_lowered  }
0xa1: {  	s22 =	simm.s32 $0x1BFF;
	s21 =	sshll.u32 s7, $0x1;
	s4 =	sadd.s32 s19, s18  }
0xa2: {  	s8 =	simm.s32 $0x0;
	s20 =	sshll.u32 s6, $0x1;
	s6 =	sadd.s32 s21, s4  }
0xa3: {  	[timem:s8], [sflag:s22] =	dma.local [hbm:s6], s20  }
0xa4: {  	_ =	swait.ge [sflag:s22], s20  }
0xa5: {  	s5 =	ssub.s32 $0x0, s20;
	[sflag:s22] =	ssyncset.done $0x0  }
0xa6: {  	[sflag:s22] =	ssyncadd.s32 s5;
	_ =	sdelay $0x1  }
0xa7: {  	s23 =	simm.s32 $0x1B8B  }
0xa8: {  	_ =	swait.ge [sflag:s23], $0x1  }
0xa9: {  	[sflag:s23] =	ssyncset.done $0x0  }
0xaa: {  	s25 =	simm.s32 $0x1B8E;
	s24 =	sld [smem:$0x3FFE];
	[sflag:s23] =	ssyncadd.s32 $0xFFFFFFFF  }
0xab: {  	s26 =	simm.s32 $execute0_lowered;
	[smem:$0x3FD2] =	sst s25  }
0xac: {  	s6 =	sshll.u32 s26, $0x1;
	_ =	strace $0x80000046;
	[dreg:$0x1] =	wrdreg $0xFFFFFFFF  }
0xad: {  	s28 =	simm.s32 $_size_execute0_lowered;
	s4 =	sadd.s32 s4, s6;
	[dreg:$0x0] =	wrdreg $0x0  }
0xae: {  	s6 =	sshll.u32 s28, $0x1;
	[dreg:$0x2] =	wrdreg s4  }
0xaf: {  	[dreg:$0x3] =	wrdreg s6  }
0xb0: {  	[dreg:$0x4] =	wrdreg $0xC0  }
0xb1: {  	_ =	task [dreg:s8], $0x5FFFF  }
0xb2: {  	[dreg:$0x1] =	wrdreg $0xFFFFFFFF  }
0xb3: {  	[dreg:$0x0] =	wrdreg $0x60  }
0xb4: {  	[dreg:$0x2] =	wrdreg s15  }
0xb5: {  	[dreg:$0x3] =	wrdreg s16  }
0xb6: {  	[dreg:$0x4] =	wrdreg s24  }
0xb7: {  	[dreg:$0x5] =	wrdreg $0xA8000  }
0xb8: {  	[dreg:$0x6] =	wrdreg $0x9  }
0xb9: {  	_ =	task.clear_ibuf [dreg:s8], $0x7FFFF;
	_ =	strace $0x90000046  }
0xba: {  	s29 =	simm.s32 $0x9;
	_ =	strace $0x80000048  }
0xbb: {  	_ =	swait.ge [sflag:s29], $0x1  }
0xbc: {  	[sflag:s29] =	ssyncadd.s32 $0xFFFFFFFF  }
0xbd: {  	_ =	strace $0x90000048  }
0xbe: {  	_ =	sfence  }
0xbf: {  	s30 =	sld [smem:$0x0];
	_ =	sdelay $0x2  }
0xc0: {  	s31 =	sshll.u32 s1, $0xD;
	s1 =	sshrl.u32 s1, $0x2  }
0xc1: {  	s3 =	sand.u32 $0x4000, s31;
	s1 =	sadd.s32 s1, s30  }
0xc2: {  	s0 =	sor.u32 s3, s0;
	s1 =	sshll.u32 s1, $0x11  }
0xc3: {  	s0 =	sor.u32 s1, s0  }
0xc4: {  	s0 =	sadd.s32 $0x8F2B, s0  }
0xc5: {  	[sflag:s0] =	ssyncadd.remote.s32 $0x1  }
0xc6: {  	_ =	sfence.sel $0xFFFF  }
0xc7: {  	[dreg:$0x0] =	wrdreg $0xFFFFFFFF;
	(pc) =	sbr.abs _section_cstart, $3  }
0xc8: {  	[dreg:$0x1] =	wrdreg $0xFFFFFFFF  }
0xc9: {  	_ =	task.clear_ibuf [dreg:s8], $0x2FFFF;
	_ =	strace $0x9FFFFFFF  }
0xca: {  	(tm) =	ssettm $0x7FFFFFFF  }
0xcb: {  	_ =	shalt  }
tec
execute0_lowered:
.L_overlay_start_1:
0x0: {  	(tag) =	ssettag $0x1  }
0x1: {  	s1 =	rddreg [dreg:$0x0]  }
0x2: {  	s9 =	rddreg [dreg:$0x1]  }
0x3: {  	s6 =	rddreg [dreg:$0x2]  }
0x4: {  	s2 =	rddreg [dreg:$0x3]  }
0x5: {  	s3 =	srdreg.scid;
	s0 =	rddreg [dreg:$0x4];
	s4 =	simm.s32 $0x0  }
0x6: {  	s16 =	simm.s32 $0x80;
	s17 =	simm.s32 $0x2800;
	s18 =	simm.s32 $0x6800  }
0x7: {  	s19 =	simm.s32 $0x1;
	s20 =	simm.s32 $0x2;
	s21 =	simm.s32 $0x2700  }
0x8: {  	s22 =	simm.s32 $0x2780;
	s7 =	sand.u32 $0x1, s3;
	s3 =	stileid.u32  }
0x9: {  	s23 =	simm.s32 $0x0;
	[smem:$0x7FF] =	sst s4;
	s8 =	smul.u32 $0x140000, s7  }
0xa: {  	s11 =	sadd.s32 $0x1C00, s6;
	s5 =	sadd.s32 $0xBC00, s6;
	s10 =	smul.u32 $0x14000, s3  }
0xb: {  	_ =	strace $0x80000047;
	s24 =	ssub.s32 $0x2, s7;
	s12 =	sshll.u32 s3, $0x1  }
0xc: {  	s25 =	smul.u32 $0x50000, s3;
	s29 =	sshll.u32 s3, $0x6;
	s7 =	sor.u32 s7, s12  }
0xd: {  	s13 =	sshrl.u32 s24, $0x1;
	s8 =	sadd.s32 s10, s8;
	s26 =	smul.u32 $0x2800, s7  }
0xe: {  	s13 =	ssub.s32 s24, s13;
	s28 =	sshrl.u32 s25, $0x2;
	s30 =	smul.u32 $0x500, s7  }
0xf: {  	s8 =	sshrl.u32 s8, $0x3;
	s15 =	sadd.s32 s28, s2;
	s12 =	smax.u32 s13, $0x1  }
0x10: {  	s14 =	sadd.s32 s8, s6;
	s6 =	sor.u32 $0x1C03, s29;
	s31 =	sshrl.u32 s26, $0x3  }
0x11: {  	s7 =	sadd.s32 s9, s30;
	s8 =	sadd.s32 s11, s30;
	s10 =	sadd.s32 $0x280, s31  }
0x12: {  	s13 =	sshrl.u32 s15, $0x3;
	s15 =	simm.s32 $0x1400;
	s9 =	sadd.s32 s9, s10  }
0x13: {  	s10 =	sadd.s32 s11, s10;
	s11 =	sadd.s32 $0xE400, s14;
	s14 =	simm.s32 $0x3  }
.LBB2_1:
0x14: {  	[spmem:s13], [sflag:s6] =	dma.local [hbm:s5], $0x2800  }
0x15: {  	_ =	swait.ge [sflag:s14], $0x2800  }
0x16: {  	[sflag:s14] =	ssyncset.done $0x0  }
0x17: {  	[sflag:s14] =	ssyncadd.s32 $0xFFFFD800  }
0x18: {  	[tilespmem:s4], [sflag:$0x3] =	stream.linear.gather [hbm4b:s7+s4], $0x1400, $0x38;
	[tilespmem:$0x1E800] =	vst v63  }
0x19: {  	_ =	swait.ge [sflag:s14], $0x1400  }
0x1a: {  	[sflag:s14] =	ssyncset.done $0x0  }
0x1b: {  	[sflag:s14] =	ssyncadd.s32 $0xFFFFEC00  }
0x1c: {  	[tilespmem:s15], [sflag:$0x3] =	stream.linear.gather [hbm4b:s8+s4], $0x1400, $0x38;
	[tilespmem:$0x1E800] =	vst v63  }
0x1d: {  	_ =	swait.ge [sflag:s14], $0x1400  }
0x1e: {  	[sflag:s14] =	ssyncset.done $0x0  }
0x1f: {  	[sflag:s14] =	ssyncadd.s32 $0xFFFFEC00  }
0x20: {  	[tilespmem:s17], [sflag:$0x1] =	stream.indirect.gather [hbm4b:s1+s16], $0x80, s4, s16, $0xb8;
	[tilespmem:$0x1E800] =	vst v63  }
0x21: {  	_ = 	snop  }
0x22: {  	[tilespmem:s18], [sflag:$0x2] =	stream.indirect.gather [hbm4b:s1+s16], $0x80, s16, s16, $0xb8;
	[tilespmem:$0x1E800] =	vst v63  }
0x23: {  	[bflag:$0x0] =	sbarrier.arrive $0xFFFF  }
0x24: {  	_ =	swait.ge [sflag:s19], $0x4000  }
0x25: {  	[sflag:s19] =	ssyncset.done $0x0  }
0x26: {  	s24 =	simm.s32 $0x1400;
	[sflag:s19] =	ssyncadd.s32 $0xFFFFC000  }
0x27: {  	[spmem:s2] =	stream.indirect.scatter.add.f32 [tilespmem:s17], [sflag:$0x3], $0x80, s24, s16, $0xb8;
	[tilespmem:$0x1E800] =	vst v63  }
0x28: {  	_ =	swait.ge [sflag:s14], $0x4000  }
0x29: {  	[sflag:s14] =	ssyncset.done $0x0  }
0x2a: {  	s30 =	simm.s32 $0x100;
	[sflag:s14] =	ssyncadd.s32 $0xFFFFC000  }
0x2b: {  	[tilespmem:s17], [sflag:$0x1] =	stream.indirect.gather [hbm4b:s1+s16], $0x80, s30, s16, $0xb8;
	[tilespmem:$0x1E800] =	vst v63  }
0x2c: {  	_ =	swait.ge [sflag:s20], $0x4000  }
0x2d: {  	[sflag:s20] =	ssyncset.done $0x0  }
0x2e: {  	s31 =	simm.s32 $0x1480;
	[sflag:s20] =	ssyncadd.s32 $0xFFFFC000  }
0x2f: {  	[spmem:s2] =	stream.indirect.scatter.add.f32 [tilespmem:s18], [sflag:$0x3], $0x80, s31, s16, $0xb8;
	[tilespmem:$0x1E800] =	vst v63  }
0x30: {  	_ =	swait.ge [sflag:s14], $0x4000  }
0x31: {  	[sflag:s14] =	ssyncset.done $0x0  }
0x32: {  	s25 =	simm.s32 $0x180;
	s24 =	simm.s32 $0x400;
	[sflag:s14] =	ssyncadd.s32 $0xFFFFC000  }
.LBB2_2:
0x33: {  	[tilespmem:s18], [sflag:$0x2] =	stream.indirect.gather [hbm4b:s1+s16], $0x80, s25, s16, $0xb8;
	[tilespmem:$0x1E800] =	vst v63  }
0x34: {  	s25 =	smov.u32 s24  }
0x35: {  	p0 =	sne.s32 s24, $0x4800;
	s24 =	sadd.s32 $0x400, s24;
	_ =	swait.ge [sflag:s19], $0x4000  }
0x36: {  	s25 =	sshra.s32 s25, $0x2;
	[sflag:s19] =	ssyncset.done $0x0  }
0x37: {  	s26 =	sadd.s32 $0x1400, s25;
	[sflag:s19] =	ssyncadd.s32 $0xFFFFC000  }
0x38: {  	[spmem:s2] =	stream.indirect.scatter.add.f32 [tilespmem:s17], [sflag:$0x3], $0x80, s26, s16, $0xb8;
	[tilespmem:$0x1E800] =	vst v63  }
0x39: {  	_ =	swait.ge [sflag:s14], $0x4000  }
0x3a: {  	[sflag:s14] =	ssyncset.done $0x0  }
0x3b: {  	s26 =	sadd.s32 $0x100, s25;
	[sflag:s14] =	ssyncadd.s32 $0xFFFFC000  }
0x3c: {  	[tilespmem:s17], [sflag:$0x1] =	stream.indirect.gather [hbm4b:s1+s16], $0x80, s26, s16, $0xb8;
	[tilespmem:$0x1E800] =	vst v63  }
0x3d: {  	_ =	swait.ge [sflag:s20], $0x4000  }
0x3e: {  	[sflag:s20] =	ssyncset.done $0x0  }
.Ltmp0:
0x3f: {  	s26 =	sadd.s32 $0x1480, s25;
	[sflag:s20] =	ssyncadd.s32 $0xFFFFC000;
	(pc) =	sbr.rel @p0 .LBB2_2-.Ltmp0, $4  }
0x40: {  	[spmem:s2] =	stream.indirect.scatter.add.f32 [tilespmem:s18], [sflag:$0x3], $0x80, s26, s16, $0xb8;
	[tilespmem:$0x1E800] =	vst v63  }
0x41: {  	_ =	swait.ge [sflag:s14], $0x4000  }
0x42: {  	[sflag:s14] =	ssyncset.done $0x0  }
0x43: {  	s25 =	sadd.s32 $0x180, s25;
	[sflag:s14] =	ssyncadd.s32 $0xFFFFC000  }
0x44: {  	[tilespmem:s18], [sflag:$0x2] =	stream.indirect.gather [hbm4b:s1+s16], $0x80, s25, s16, $0xb8;
	[tilespmem:$0x1E800] =	vst v63  }
0x45: {  	_ =	swait.ge [sflag:s19], $0x4000  }
0x46: {  	[sflag:s19] =	ssyncset.done $0x0  }
0x47: {  	[sflag:s19] =	ssyncadd.s32 $0xFFFFC000  }
0x48: {  	[spmem:s2] =	stream.indirect.scatter.add.f32 [tilespmem:s17], [sflag:$0x3], $0x80, s21, s16, $0xb8;
	[tilespmem:$0x1E800] =	vst v63  }
0x49: {  	_ =	swait.ge [sflag:s14], $0x4000  }
0x4a: {  	[sflag:s14] =	ssyncset.done $0x0  }
0x4b: {  	[sflag:s14] =	ssyncadd.s32 $0xFFFFC000  }
0x4c: {  	_ =	swait.ge [sflag:s20], $0x4000  }
0x4d: {  	[sflag:s20] =	ssyncset.done $0x0  }
0x4e: {  	[sflag:s20] =	ssyncadd.s32 $0xFFFFC000  }
0x4f: {  	[spmem:s2] =	stream.indirect.scatter.add.f32 [tilespmem:s18], [sflag:$0x3], $0x80, s22, s16, $0xb8;
	[tilespmem:$0x1E800] =	vst v63  }
0x50: {  	_ =	swait.ge [sflag:s14], $0x4000  }
0x51: {  	[sflag:s14] =	ssyncset.done $0x0  }
0x52: {  	s24 =	simm.s32 $0x0;
	[sflag:s14] =	ssyncadd.s32 $0xFFFFC000  }
0x53: {  	[tilespmem:s24], [sflag:$0x3] =	stream.linear.gather [hbm4b:s9+s24], $0x1400, $0x38;
	[tilespmem:$0x1E800] =	vst v63  }
0x54: {  	_ =	swait.ge [sflag:s14], $0x1400  }
0x55: {  	[sflag:s14] =	ssyncset.done $0x0  }
0x56: {  	[sflag:s14] =	ssyncadd.s32 $0xFFFFEC00  }
0x57: {  	[tilespmem:s15], [sflag:$0x3] =	stream.linear.gather [hbm4b:s10+s24], $0x1400, $0x38;
	[tilespmem:$0x1E800] =	vst v63  }
0x58: {  	_ =	swait.ge [sflag:s14], $0x1400  }
0x59: {  	[sflag:s14] =	ssyncset.done $0x0  }
0x5a: {  	[sflag:s14] =	ssyncadd.s32 $0xFFFFEC00  }
0x5b: {  	[tilespmem:s17], [sflag:$0x1] =	stream.indirect.gather [hbm4b:s1+s16], $0x80, s24, s16, $0xb8;
	[tilespmem:$0x1E800] =	vst v63  }
0x5c: {  	_ = 	snop  }
0x5d: {  	[tilespmem:s18], [sflag:$0x2] =	stream.indirect.gather [hbm4b:s1+s16], $0x80, s16, s16, $0xb8;
	[tilespmem:$0x1E800] =	vst v63  }
0x5e: {  	_ =	swait.ge [sflag:s19], $0x4000  }
0x5f: {  	[sflag:s19] =	ssyncset.done $0x0  }
0x60: {  	s29 =	simm.s32 $0x1400;
	[sflag:s19] =	ssyncadd.s32 $0xFFFFC000  }
0x61: {  	[spmem:s2] =	stream.indirect.scatter.add.f32 [tilespmem:s17], [sflag:$0x3], $0x80, s29, s16, $0xb8;
	[tilespmem:$0x1E800] =	vst v63  }
0x62: {  	_ =	swait.ge [sflag:s14], $0x4000  }
0x63: {  	[sflag:s14] =	ssyncset.done $0x0  }
0x64: {  	s30 =	simm.s32 $0x100;
	[sflag:s14] =	ssyncadd.s32 $0xFFFFC000  }
0x65: {  	[tilespmem:s17], [sflag:$0x1] =	stream.indirect.gather [hbm4b:s1+s16], $0x80, s30, s16, $0xb8;
	[tilespmem:$0x1E800] =	vst v63  }
0x66: {  	_ =	swait.ge [sflag:s20], $0x4000  }
0x67: {  	[sflag:s20] =	ssyncset.done $0x0  }
0x68: {  	s31 =	simm.s32 $0x1480;
	[sflag:s20] =	ssyncadd.s32 $0xFFFFC000  }
0x69: {  	[spmem:s2] =	stream.indirect.scatter.add.f32 [tilespmem:s18], [sflag:$0x3], $0x80, s31, s16, $0xb8;
	[tilespmem:$0x1E800] =	vst v63  }
0x6a: {  	_ =	swait.ge [sflag:s14], $0x4000  }
0x6b: {  	[sflag:s14] =	ssyncset.done $0x0  }
0x6c: {  	s25 =	simm.s32 $0x180;
	s24 =	simm.s32 $0x400;
	[sflag:s14] =	ssyncadd.s32 $0xFFFFC000  }
.LBB2_4:
0x6d: {  	[tilespmem:s18], [sflag:$0x2] =	stream.indirect.gather [hbm4b:s1+s16], $0x80, s25, s16, $0xb8;
	[tilespmem:$0x1E800] =	vst v63  }
0x6e: {  	s25 =	smov.u32 s24  }
0x6f: {  	p0 =	sne.s32 s24, $0x4800;
	s24 =	sadd.s32 $0x400, s24;
	_ =	swait.ge [sflag:s19], $0x4000  }
0x70: {  	s25 =	sshra.s32 s25, $0x2;
	[sflag:s19] =	ssyncset.done $0x0  }
0x71: {  	s26 =	sadd.s32 $0x1400, s25;
	[sflag:s19] =	ssyncadd.s32 $0xFFFFC000  }
0x72: {  	[spmem:s2] =	stream.indirect.scatter.add.f32 [tilespmem:s17], [sflag:$0x3], $0x80, s26, s16, $0xb8;
	[tilespmem:$0x1E800] =	vst v63  }
0x73: {  	_ =	swait.ge [sflag:s14], $0x4000  }
0x74: {  	[sflag:s14] =	ssyncset.done $0x0  }
0x75: {  	s26 =	sadd.s32 $0x100, s25;
	[sflag:s14] =	ssyncadd.s32 $0xFFFFC000  }
0x76: {  	[tilespmem:s17], [sflag:$0x1] =	stream.indirect.gather [hbm4b:s1+s16], $0x80, s26, s16, $0xb8;
	[tilespmem:$0x1E800] =	vst v63  }
0x77: {  	_ =	swait.ge [sflag:s20], $0x4000  }
0x78: {  	[sflag:s20] =	ssyncset.done $0x0  }
.Ltmp1:
0x79: {  	s26 =	sadd.s32 $0x1480, s25;
	[sflag:s20] =	ssyncadd.s32 $0xFFFFC000;
	(pc) =	sbr.rel @p0 .LBB2_4-.Ltmp1, $4  }
0x7a: {  	[spmem:s2] =	stream.indirect.scatter.add.f32 [tilespmem:s18], [sflag:$0x3], $0x80, s26, s16, $0xb8;
	[tilespmem:$0x1E800] =	vst v63  }
0x7b: {  	_ =	swait.ge [sflag:s14], $0x4000  }
0x7c: {  	[sflag:s14] =	ssyncset.done $0x0  }
0x7d: {  	s25 =	sadd.s32 $0x180, s25;
	[sflag:s14] =	ssyncadd.s32 $0xFFFFC000  }
0x7e: {  	[tilespmem:s18], [sflag:$0x2] =	stream.indirect.gather [hbm4b:s1+s16], $0x80, s25, s16, $0xb8;
	[tilespmem:$0x1E800] =	vst v63  }
0x7f: {  	_ =	swait.ge [sflag:s19], $0x4000  }
0x80: {  	[sflag:s19] =	ssyncset.done $0x0  }
0x81: {  	[sflag:s19] =	ssyncadd.s32 $0xFFFFC000  }
0x82: {  	[spmem:s2] =	stream.indirect.scatter.add.f32 [tilespmem:s17], [sflag:$0x3], $0x80, s21, s16, $0xb8;
	[tilespmem:$0x1E800] =	vst v63  }
0x83: {  	_ =	swait.ge [sflag:s14], $0x4000  }
0x84: {  	[sflag:s14] =	ssyncset.done $0x0  }
0x85: {  	[sflag:s14] =	ssyncadd.s32 $0xFFFFC000  }
0x86: {  	_ =	swait.ge [sflag:s20], $0x4000  }
0x87: {  	[sflag:s20] =	ssyncset.done $0x0  }
0x88: {  	[sflag:s20] =	ssyncadd.s32 $0xFFFFC000  }
0x89: {  	[spmem:s2] =	stream.indirect.scatter.add.f32 [tilespmem:s18], [sflag:$0x3], $0x80, s22, s16, $0xb8;
	[tilespmem:$0x1E800] =	vst v63  }
0x8a: {  	_ =	swait.ge [sflag:s14], $0x4000  }
0x8b: {  	s23 =	sadd.s32 $0x1, s23;
	[sflag:s14] =	ssyncset.done $0x0  }
0x8c: {  	p0 =	sne.s32 s23, s12;
	[sflag:s14] =	ssyncadd.s32 $0xFFFFC000  }
.Ltmp2:
0x8d: {  	[bflag:$0x0] =	sbarrier.arrive $0xFFFF;
	(pc) =	sbr.rel @p0 .LBB2_1-.Ltmp2, $4  }
0x8e: {  	[hbm:s11], [sflag:s6] =	dma.local [spmem:s13], $0x2800  }
0x8f: {  	_ =	swait.ge [sflag:s14], $0x2800  }
0x90: {  	[sflag:s14] =	ssyncset.done $0x0  }
0x91: {  	[sflag:s14] =	ssyncadd.s32 $0xFFFFD800  }
0x92: {  	_ =	sfence.sel $0x180000  }
0x93: {  	[bflag:$0x0] =	sbarrier.arrive $0xFFFF  }
0x94: {  	p0 =	sne.s32 s3, $0x0;
	_ =	strace $0x90000047  }
0x95: {  	s0 =	sadd.s32 @!p0 $0x100000, s0;
	[bflag:$0x2] =	sbarrier.arrive $0xFFFF  }
0x96: {  	[sflag:s0] =	ssyncadd.tile.s32 @!p0 $0x1;
	_ =	shalt  }
.Lfunc_end2:
_tile_overlayer_lowered:
.L_overlay_start_2:
0x97: {  	(tag) =	ssettag $0x2  }
0x98: {  	s0 =	rddreg [dreg:$0x0];
	s2 =	stileid.u32  }
0x99: {  	s1 =	rddreg [dreg:$0x1];
	p0 =	sne.s32 s2, $0x0  }
0x9a: {  	s3 =	rddreg [dreg:$0x2];
	[bflag:$0x3] =	sbarrier.arrive $0xFFFF;
	s2 =	simm.s32 @!p0 $0x1C03  }
0x9b: {  	[timem:s3], [sflag:s2] =	dma.local @!p0 [hbm:s0], s1  }
0x9c: {  	s0 =	simm.s32 @!p0 $0x3  }
0x9d: {  	_ =	swait.ge @!p0 [sflag:s0], s1  }
0x9e: {  	s1 =	ssub.s32 @!p0 $0x0, s1;
	[sflag:s0] =	ssyncset.done @!p0 $0x0  }
0x9f: {  	[sflag:s0] =	ssyncadd.s32 @!p0 s1  }
0xa0: {  	[bflag:$0x3] =	sbarrier.arrive $0xFFFF  }
0xa1: {  	_ =	shalt  }

</sc_bundles>
